<compile_context>
chip_gen: v7x
topology: tpu7x:2x2x1
jax: 0.10.2.dev20260603
libtpu: 0.0.44.dev20260713+nightly
codegen_flags: <defaults>
</compile_context>

<pallas_src>
import functools

import jax
import jax.numpy as jnp
from jax import lax
from jax.experimental import pallas as pl
from jax.experimental.pallas import tpu as pltpu
from jax.experimental.pallas import tpu_sc as plsc

N_TOK = 8192
N_SLOTS = 512
T = 30
D = 256
D_FFN = 1024
CELLS = N_SLOTS * T

L = 16
NC = 2
NS = 16
NW = NC * NS
CPT = CELLS // NW
WIN = 96
NWIN = CPT // WIN

BLK = 1024
PAD = BLK
Y_ROWS = N_TOK + PAD


def _ffn_body(x_ref, w1_ref, b1_ref, w2_ref, b2_ref, g_ref, bt_ref, y_ref):
    i = pl.program_id(0)

    @pl.when(i < N_TOK // BLK)
    def _compute():
        x = x_ref[...]
        z = jnp.dot(x, w1_ref[...], preferred_element_type=jnp.float32) + b1_ref[...]
        zu = z * (-1.5957691216057308 + (-0.07135481262980924) * (z * z))
        h = z / (1.0 + jnp.exp(zu))
        f = jnp.dot(h, w2_ref[...], preferred_element_type=jnp.float32) + b2_ref[...]
        xr = x + f
        mean = jnp.mean(xr, axis=-1, keepdims=True)
        var = jnp.mean((xr - mean) ** 2, axis=-1, keepdims=True)
        y_ref[...] = (xr - mean) * lax.rsqrt(var + 1e-5) * g_ref[...] + bt_ref[...]

    @pl.when(i >= N_TOK // BLK)
    def _pad():
        y_ref[...] = jnp.zeros_like(y_ref)


def _ffn(x, w1, b1, w2, b2, gamma, beta):
    nblk = Y_ROWS // BLK
    last = N_TOK // BLK - 1
    return pl.pallas_call(
        _ffn_body,
        grid=(nblk,),
        in_specs=[
            pl.BlockSpec((BLK, D), lambda i: (jnp.minimum(i, last), 0)),
            pl.BlockSpec((D, D_FFN), lambda i: (0, 0)),
            pl.BlockSpec((D_FFN,), lambda i: (0,)),
            pl.BlockSpec((D_FFN, D), lambda i: (0, 0)),
            pl.BlockSpec((D,), lambda i: (0,)),
            pl.BlockSpec((D,), lambda i: (0,)),
            pl.BlockSpec((D,), lambda i: (0,)),
        ],
        out_specs=pl.BlockSpec((BLK, D), lambda i: (i, 0)),
        out_shape=jax.ShapeDtypeStruct((Y_ROWS, D), jnp.float32),
    )(x, w1, b1, w2, b2, gamma, beta)


def _sc_scan(slot_i32, frame_i32):
    mesh = plsc.VectorSubcoreMesh(core_axis_name="c", subcore_axis_name="s")

    @functools.partial(
        pl.kernel,
        mesh=mesh,
        out_type=jax.ShapeDtypeStruct((NW, NWIN, WIN), jnp.int32),
        compiler_params=pltpu.CompilerParams(
            needs_layout_passes=False, use_tc_tiling_on_sc=True
        ),
        scratch_types=[
            pltpu.VMEM((N_TOK,), jnp.int32),
            pltpu.VMEM((N_TOK,), jnp.int32),
            pltpu.VMEM((CPT,), jnp.int32),
            pltpu.VMEM((NWIN, WIN), jnp.int32),
        ],
    )
    def body(slot_hbm, frame_hbm, idx_hbm, slot_v, frame_v, win_v, idx_v):
        cid = lax.axis_index("c")
        sid = lax.axis_index("s")
        wid = sid * NC + cid
        base = wid * CPT
        lane = lax.iota(jnp.int32, L)

        pltpu.sync_copy(slot_hbm, slot_v)
        pltpu.sync_copy(frame_hbm, frame_v)

        for k in range(CPT // L):
            win_v[pl.ds(k * L, L)] = N_TOK + k * L + lane

        def scan(j, carry):
            s = slot_v[pl.ds(j * L, L)]
            f = frame_v[pl.ds(j * L, L)]
            c = f * N_SLOTS + s
            key = c * L + lane
            tok = j * L + lane
            ks, vs = plsc.sort_key_val(key, tok)
            cs = lax.shift_right_logical(ks, 4)
            nxt = jnp.minimum(lane + 1, L - 1)
            cs_n = lax.gather(
                cs,
                nxt[:, None],
                lax.GatherDimensionNumbers(
                    offset_dims=(),
                    collapsed_slice_dims=(0,),
                    start_index_map=(0,),
                ),
                slice_sizes=(1,),
                mode=lax.GatherScatterMode.PROMISE_IN_BOUNDS,
            )
            keep = jnp.logical_or(cs != cs_n, lane == L - 1)
            owned = jnp.logical_and(cs >= base, cs < base + CPT)
            m = jnp.logical_and(keep, owned)
            li = jnp.clip(cs - base, 0, CPT - 1)
            plsc.store_scatter(win_v, [li], vs, mask=m)
            return carry

        lax.fori_loop(0, N_TOK // L, scan, 0)

        for k in range(CPT // L):
            r, off = (k * L) // WIN, (k * L) % WIN
            idx_v[r, pl.ds(off, L)] = win_v[pl.ds(k * L, L)]
        pltpu.sync_copy(idx_v, idx_hbm.at[wid])

    return body(slot_i32, frame_i32)


def _sc_gather(idx_all, y):
    mesh = plsc.VectorSubcoreMesh(core_axis_name="c", subcore_axis_name="s")

    @functools.partial(
        pl.kernel,
        mesh=mesh,
        out_type=jax.ShapeDtypeStruct((CELLS, D), jnp.float32),
        compiler_params=pltpu.CompilerParams(
            needs_layout_passes=False, use_tc_tiling_on_sc=True
        ),
        scratch_types=[
            pltpu.VMEM((NWIN, WIN), jnp.int32),
            pltpu.VMEM((NWIN, WIN, D), jnp.float32),
        ]
        + [pltpu.SemaphoreType.DMA] * (2 * NWIN),
    )
    def body(idx_hbm, y_hbm, out_hbm, idx_v, rows_v, *sems):
        cid = lax.axis_index("c")
        sid = lax.axis_index("s")
        wid = sid * NC + cid
        base = wid * CPT

        pltpu.sync_copy(idx_hbm.at[wid], idx_v)
        cps = [
            pltpu.async_copy(y_hbm.at[idx_v.at[w]], rows_v.at[w], sems[w])
            for w in range(NWIN)
        ]
        wps = []
        for w in range(NWIN):
            cps[w].wait()
            wps.append(
                pltpu.async_copy(
                    rows_v.at[w],
                    out_hbm.at[pl.ds(base + w * WIN, WIN)],
                    sems[NWIN + w],
                )
            )
        for w in range(NWIN):
            wps[w].wait()

    return body(idx_all, y)


def kernel(flat_features, slot_idx, frame_ids, W1, b1, W2, b2, gamma, beta):
    slot_i32 = slot_idx.astype(jnp.int32)
    frame_i32 = frame_ids.astype(jnp.int32)
    idx_all = _sc_scan(slot_i32, frame_i32)
    y = _ffn(flat_features, W1, b1, W2, b2, gamma, beta)
    out = _sc_gather(idx_all, y)
    return out.reshape(T, N_SLOTS, D).transpose(1, 0, 2)

# --- scband reference (transcript-rebuilt; emitter-appended) ---
"""Pipeline reference for scband-seq-decoder-42374147342994 (READ-ONLY COPY).

The authoritative reference and input builder live on the scoring server;
editing this copy changes nothing except your own understanding.
"""

import jax, jax.numpy as jnp
import numpy as np

N_TOK = 8192
N_SLOTS = 512
T = 30
D = 256
D_FFN = 1024


def setup_inputs(seed: int = 0) -> dict:
    key = jax.random.key(seed)
    ks = jax.random.split(key, 8)
    flat_features = jax.random.normal(ks[0], (N_TOK, D), dtype=jnp.float32)
    slot_idx = jax.random.randint(ks[1], (N_TOK,), 0, N_SLOTS, dtype=jnp.int32).astype(jnp.int64)
    frame_ids = jax.random.randint(ks[2], (N_TOK,), 0, T, dtype=jnp.int32).astype(jnp.int64)
    # learned params of the trajectory_feature_adapter FFN (d_model=256, d_ffn=1024, GELU) + LayerNorm
    W1 = jax.random.normal(ks[3], (D, D_FFN), dtype=jnp.float32) * 0.02
    b1 = jnp.zeros((D_FFN,), dtype=jnp.float32)
    W2 = jax.random.normal(ks[4], (D_FFN, D), dtype=jnp.float32) * 0.02
    b2 = jnp.zeros((D,), dtype=jnp.float32)
    gamma = jnp.ones((D,), dtype=jnp.float32)
    beta = jnp.zeros((D,), dtype=jnp.float32)
    return {
        "flat_features": flat_features,
        "slot_idx": slot_idx,
        "frame_ids": frame_ids,
        "W1": W1, "b1": b1, "W2": W2, "b2": b2,
        "gamma": gamma, "beta": beta,
    }


def reference(flat_features, slot_idx, frame_ids, W1, b1, W2, b2, gamma, beta):
    # ---- SeqDecoder.prepare: scatter ragged per-frame detections into a dense
    # [N_slots, T, D] trajectory tensor (scatter-overwrite), building the token mask.
    traj_features = jnp.zeros((N_SLOTS, T, D), dtype=jnp.float32)
    traj_features = traj_features.at[slot_idx, frame_ids].set(flat_features)
    traj_mask = jnp.ones((N_SLOTS, T), dtype=bool)
    traj_mask = traj_mask.at[slot_idx, frame_ids].set(False)
    # ---- trajectory_feature_adapter: FFN(d_model=256, d_ffn=1024, GELU) with
    # residual connection and LayerNorm (dropout=0.0 at eval).
    h = jax.nn.gelu(traj_features @ W1 + b1)
    ffn_out = h @ W2 + b2
    x = traj_features + ffn_out
    mean = jnp.mean(x, axis=-1, keepdims=True)
    var = jnp.var(x, axis=-1, keepdims=True)
    out = (x - mean) / jnp.sqrt(var + 1e-5) * gamma + beta
    # zero out padded (masked) trajectory slots, as downstream attention ignores them
    out = jnp.where(traj_mask[..., None], 0.0, out)
    return out

if __name__ == "__main__":
    import jax
    _d = setup_inputs()
    print(jax.jit(kernel)(*tuple(_d.values())))

</pallas_src>

<mosaic_0001>
#map = affine_map<(d0, d1) -> (0, 0, 0)>
#map1 = affine_map<(d0, d1) -> (0, 0)>
module attributes {stable_mosaic.version = 14 : i64} {
  func.func @body(%arg0: i32, %arg1: i32, %arg2: memref<32x5x96xi32, #tpu.memory_space<hbm>>, %arg3: memref<9216x256xf32, #tpu.memory_space<hbm>>, %arg4: memref<15360x256xf32, #tpu.memory_space<hbm>>, %arg5: memref<5x96xi32, #tpu.memory_space<vmem>>, %arg6: memref<5x96x256xf32, #tpu.memory_space<vmem>>, %arg7: memref<!tpu.dma_semaphore, #tpu.memory_space<semaphore_mem>>, %arg8: memref<!tpu.dma_semaphore, #tpu.memory_space<semaphore_mem>>, %arg9: memref<!tpu.dma_semaphore, #tpu.memory_space<semaphore_mem>>, %arg10: memref<!tpu.dma_semaphore, #tpu.memory_space<semaphore_mem>>, %arg11: memref<!tpu.dma_semaphore, #tpu.memory_space<semaphore_mem>>, %arg12: memref<!tpu.dma_semaphore, #tpu.memory_space<semaphore_mem>>, %arg13: memref<!tpu.dma_semaphore, #tpu.memory_space<semaphore_mem>>, %arg14: memref<!tpu.dma_semaphore, #tpu.memory_space<semaphore_mem>>, %arg15: memref<!tpu.dma_semaphore, #tpu.memory_space<semaphore_mem>>, %arg16: memref<!tpu.dma_semaphore, #tpu.memory_space<semaphore_mem>>) attributes {dimension_semantics = [#tpu.dimension_semantics<core_parallel>, #tpu.dimension_semantics<subcore_parallel>], iteration_bounds = array<i64: 2, 16>, scalar_prefetch = 0 : i64, scratch_operands = 12 : i64, tpu.core_type = #tpu.core_type<sc_vector_subcore>, window_params = [{transform_indices = #map}, {transform_indices = #map1}, {transform_indices = #map1}]} {
    %mul3A = arith.constant 2 : i32
    %mul3A_0 = arith.muli %arg1, %mul3A : i32
    %add3A = arith.addi %mul3A_0, %arg0 : i32
    %mul3A_1 = arith.constant 480 : i32
    %mul3A_2 = arith.muli %add3A, %mul3A_1 : i32
    "tpu.region"() ({
      %run_scoped3A = tpu.sem_alloc : memref<!tpu.dma_semaphore, #tpu.memory_space<semaphore_mem>>
      %dma_start3A_261 = arith.constant 0 : i32
      %dma_start3A_262 = arith.constant 0 : i32
      %dma_start3A_263 = tpu.memref_slice %arg2[%add3A, %dma_start3A_261, %dma_start3A_262] : memref<32x5x96xi32, #tpu.memory_space<hbm>> -> memref<1x5x96xi32, #tpu.memory_space<hbm>>
      %dma_start3A_264 = tpu.memref_squeeze %dma_start3A_263 : memref<1x5x96xi32, #tpu.memory_space<hbm>> -> memref<5x96xi32, #tpu.memory_space<hbm>>
      %dma_start3A_265 = arith.constant 0 : i32
      %dma_start3A_266 = arith.constant 0 : i32
      %dma_start3A_267 = tpu.memref_slice %arg2[%add3A, %dma_start3A_265, %dma_start3A_266] : memref<32x5x96xi32, #tpu.memory_space<hbm>> -> memref<1x5x96xi32, #tpu.memory_space<hbm>>
      %dma_start3A_268 = tpu.memref_squeeze %dma_start3A_267 : memref<1x5x96xi32, #tpu.memory_space<hbm>> -> memref<5x96xi32, #tpu.memory_space<hbm>>
      tpu.enqueue_dma source(%dma_start3A_268 : memref<5x96xi32, #tpu.memory_space<hbm>>) target(%arg5 : memref<5x96xi32, #tpu.memory_space<vmem>>) target_semaphore(%run_scoped3A : memref<!tpu.dma_semaphore, #tpu.memory_space<semaphore_mem>>)
      %dma_wait3A_269 = arith.constant 0 : i32
      %dma_wait3A_270 = arith.constant 0 : i32
      %dma_wait3A_271 = tpu.memref_slice %arg2[%add3A, %dma_wait3A_269, %dma_wait3A_270] : memref<32x5x96xi32, #tpu.memory_space<hbm>> -> memref<1x5x96xi32, #tpu.memory_space<hbm>>
      %dma_wait3A_272 = tpu.memref_squeeze %dma_wait3A_271 : memref<1x5x96xi32, #tpu.memory_space<hbm>> -> memref<5x96xi32, #tpu.memory_space<hbm>>
      %dma_wait3A_273 = arith.constant 0 : i32
      %dma_wait3A_274 = arith.constant 0 : i32
      %dma_wait3A_275 = tpu.memref_slice %arg2[%add3A, %dma_wait3A_273, %dma_wait3A_274] : memref<32x5x96xi32, #tpu.memory_space<hbm>> -> memref<1x5x96xi32, #tpu.memory_space<hbm>>
      %dma_wait3A_276 = tpu.memref_squeeze %dma_wait3A_275 : memref<1x5x96xi32, #tpu.memory_space<hbm>> -> memref<5x96xi32, #tpu.memory_space<hbm>>
      tpu.wait_dma2 semaphore(%run_scoped3A : memref<!tpu.dma_semaphore, #tpu.memory_space<semaphore_mem>>) src(%dma_wait3A_276 : memref<5x96xi32, #tpu.memory_space<hbm>>) dst(%arg5 : memref<5x96xi32, #tpu.memory_space<vmem>>)
      tpu.yield
    }) : () -> ()
    %dma_start3A = arith.constant 0 : i32
    %dma_start3A_3 = arith.constant 0 : i32
    %dma_start3A_4 = arith.constant 0 : i32
    %dma_start3A_5 = arith.constant 0 : i32
    %dma_start3A_6 = tpu.memref_slice %arg6[%dma_start3A_3, %dma_start3A_4, %dma_start3A_5] : memref<5x96x256xf32, #tpu.memory_space<vmem>> -> memref<1x96x256xf32, #tpu.memory_space<vmem>>
    %dma_start3A_7 = tpu.memref_squeeze %dma_start3A_6 : memref<1x96x256xf32, #tpu.memory_space<vmem>> -> memref<96x256xf32, #tpu.memory_space<vmem>>
    %dma_start3A_8 = arith.constant 0 : i32
    %dma_start3A_9 = tpu.memref_slice %arg5[%dma_start3A, %dma_start3A_8] : memref<5x96xi32, #tpu.memory_space<vmem>> -> memref<1x96xi32, #tpu.memory_space<vmem>>
    %dma_start3A_10 = tpu.memref_squeeze %dma_start3A_9 : memref<1x96xi32, #tpu.memory_space<vmem>> -> memref<96xi32, #tpu.memory_space<vmem>>
    %dma_start3A_11 = arith.constant 0 : i32
    %dma_start3A_12 = arith.constant 0 : i32
    %dma_start3A_13 = tpu.memref_slice %arg3[%dma_start3A_11, %dma_start3A_12] : memref<9216x256xf32, #tpu.memory_space<hbm>> -> memref<9216x256xf32, #tpu.memory_space<hbm>>
    tpu.enqueue_indirect_dma source(%dma_start3A_13 : memref<9216x256xf32, #tpu.memory_space<hbm>>) target(%dma_start3A_7 : memref<96x256xf32, #tpu.memory_space<vmem>>) offsets(%dma_start3A_10 : memref<96xi32, #tpu.memory_space<vmem>>) semaphore(%arg7 : memref<!tpu.dma_semaphore, #tpu.memory_space<semaphore_mem>>)
    %dma_start3A_14 = arith.constant 1 : i32
    %dma_start3A_15 = arith.constant 1 : i32
    %dma_start3A_16 = arith.constant 0 : i32
    %dma_start3A_17 = arith.constant 0 : i32
    %dma_start3A_18 = tpu.memref_slice %arg6[%dma_start3A_15, %dma_start3A_16, %dma_start3A_17] : memref<5x96x256xf32, #tpu.memory_space<vmem>> -> memref<1x96x256xf32, #tpu.memory_space<vmem>>
    %dma_start3A_19 = tpu.memref_squeeze %dma_start3A_18 : memref<1x96x256xf32, #tpu.memory_space<vmem>> -> memref<96x256xf32, #tpu.memory_space<vmem>>
    %dma_start3A_20 = arith.constant 0 : i32
    %dma_start3A_21 = tpu.memref_slice %arg5[%dma_start3A_14, %dma_start3A_20] : memref<5x96xi32, #tpu.memory_space<vmem>> -> memref<1x96xi32, #tpu.memory_space<vmem>>
    %dma_start3A_22 = tpu.memref_squeeze %dma_start3A_21 : memref<1x96xi32, #tpu.memory_space<vmem>> -> memref<96xi32, #tpu.memory_space<vmem>>
    %dma_start3A_23 = arith.constant 0 : i32
    %dma_start3A_24 = arith.constant 0 : i32
    %dma_start3A_25 = tpu.memref_slice %arg3[%dma_start3A_23, %dma_start3A_24] : memref<9216x256xf32, #tpu.memory_space<hbm>> -> memref<9216x256xf32, #tpu.memory_space<hbm>>
    tpu.enqueue_indirect_dma source(%dma_start3A_25 : memref<9216x256xf32, #tpu.memory_space<hbm>>) target(%dma_start3A_19 : memref<96x256xf32, #tpu.memory_space<vmem>>) offsets(%dma_start3A_22 : memref<96xi32, #tpu.memory_space<vmem>>) semaphore(%arg8 : memref<!tpu.dma_semaphore, #tpu.memory_space<semaphore_mem>>)
    %dma_start3A_26 = arith.constant 2 : i32
    %dma_start3A_27 = arith.constant 2 : i32
    %dma_start3A_28 = arith.constant 0 : i32
    %dma_start3A_29 = arith.constant 0 : i32
    %dma_start3A_30 = tpu.memref_slice %arg6[%dma_start3A_27, %dma_start3A_28, %dma_start3A_29] : memref<5x96x256xf32, #tpu.memory_space<vmem>> -> memref<1x96x256xf32, #tpu.memory_space<vmem>>
    %dma_start3A_31 = tpu.memref_squeeze %dma_start3A_30 : memref<1x96x256xf32, #tpu.memory_space<vmem>> -> memref<96x256xf32, #tpu.memory_space<vmem>>
    %dma_start3A_32 = arith.constant 0 : i32
    %dma_start3A_33 = tpu.memref_slice %arg5[%dma_start3A_26, %dma_start3A_32] : memref<5x96xi32, #tpu.memory_space<vmem>> -> memref<1x96xi32, #tpu.memory_space<vmem>>
    %dma_start3A_34 = tpu.memref_squeeze %dma_start3A_33 : memref<1x96xi32, #tpu.memory_space<vmem>> -> memref<96xi32, #tpu.memory_space<vmem>>
    %dma_start3A_35 = arith.constant 0 : i32
    %dma_start3A_36 = arith.constant 0 : i32
    %dma_start3A_37 = tpu.memref_slice %arg3[%dma_start3A_35, %dma_start3A_36] : memref<9216x256xf32, #tpu.memory_space<hbm>> -> memref<9216x256xf32, #tpu.memory_space<hbm>>
    tpu.enqueue_indirect_dma source(%dma_start3A_37 : memref<9216x256xf32, #tpu.memory_space<hbm>>) target(%dma_start3A_31 : memref<96x256xf32, #tpu.memory_space<vmem>>) offsets(%dma_start3A_34 : memref<96xi32, #tpu.memory_space<vmem>>) semaphore(%arg9 : memref<!tpu.dma_semaphore, #tpu.memory_space<semaphore_mem>>)
    %dma_start3A_38 = arith.constant 3 : i32
    %dma_start3A_39 = arith.constant 3 : i32
    %dma_start3A_40 = arith.constant 0 : i32
    %dma_start3A_41 = arith.constant 0 : i32
    %dma_start3A_42 = tpu.memref_slice %arg6[%dma_start3A_39, %dma_start3A_40, %dma_start3A_41] : memref<5x96x256xf32, #tpu.memory_space<vmem>> -> memref<1x96x256xf32, #tpu.memory_space<vmem>>
    %dma_start3A_43 = tpu.memref_squeeze %dma_start3A_42 : memref<1x96x256xf32, #tpu.memory_space<vmem>> -> memref<96x256xf32, #tpu.memory_space<vmem>>
    %dma_start3A_44 = arith.constant 0 : i32
    %dma_start3A_45 = tpu.memref_slice %arg5[%dma_start3A_38, %dma_start3A_44] : memref<5x96xi32, #tpu.memory_space<vmem>> -> memref<1x96xi32, #tpu.memory_space<vmem>>
    %dma_start3A_46 = tpu.memref_squeeze %dma_start3A_45 : memref<1x96xi32, #tpu.memory_space<vmem>> -> memref<96xi32, #tpu.memory_space<vmem>>
    %dma_start3A_47 = arith.constant 0 : i32
    %dma_start3A_48 = arith.constant 0 : i32
    %dma_start3A_49 = tpu.memref_slice %arg3[%dma_start3A_47, %dma_start3A_48] : memref<9216x256xf32, #tpu.memory_space<hbm>> -> memref<9216x256xf32, #tpu.memory_space<hbm>>
    tpu.enqueue_indirect_dma source(%dma_start3A_49 : memref<9216x256xf32, #tpu.memory_space<hbm>>) target(%dma_start3A_43 : memref<96x256xf32, #tpu.memory_space<vmem>>) offsets(%dma_start3A_46 : memref<96xi32, #tpu.memory_space<vmem>>) semaphore(%arg10 : memref<!tpu.dma_semaphore, #tpu.memory_space<semaphore_mem>>)
    %dma_start3A_50 = arith.constant 4 : i32
    %dma_start3A_51 = arith.constant 4 : i32
    %dma_start3A_52 = arith.constant 0 : i32
    %dma_start3A_53 = arith.constant 0 : i32
    %dma_start3A_54 = tpu.memref_slice %arg6[%dma_start3A_51, %dma_start3A_52, %dma_start3A_53] : memref<5x96x256xf32, #tpu.memory_space<vmem>> -> memref<1x96x256xf32, #tpu.memory_space<vmem>>
    %dma_start3A_55 = tpu.memref_squeeze %dma_start3A_54 : memref<1x96x256xf32, #tpu.memory_space<vmem>> -> memref<96x256xf32, #tpu.memory_space<vmem>>
    %dma_start3A_56 = arith.constant 0 : i32
    %dma_start3A_57 = tpu.memref_slice %arg5[%dma_start3A_50, %dma_start3A_56] : memref<5x96xi32, #tpu.memory_space<vmem>> -> memref<1x96xi32, #tpu.memory_space<vmem>>
    %dma_start3A_58 = tpu.memref_squeeze %dma_start3A_57 : memref<1x96xi32, #tpu.memory_space<vmem>> -> memref<96xi32, #tpu.memory_space<vmem>>
    %dma_start3A_59 = arith.constant 0 : i32
    %dma_start3A_60 = arith.constant 0 : i32
    %dma_start3A_61 = tpu.memref_slice %arg3[%dma_start3A_59, %dma_start3A_60] : memref<9216x256xf32, #tpu.memory_space<hbm>> -> memref<9216x256xf32, #tpu.memory_space<hbm>>
    tpu.enqueue_indirect_dma source(%dma_start3A_61 : memref<9216x256xf32, #tpu.memory_space<hbm>>) target(%dma_start3A_55 : memref<96x256xf32, #tpu.memory_space<vmem>>) offsets(%dma_start3A_58 : memref<96xi32, #tpu.memory_space<vmem>>) semaphore(%arg11 : memref<!tpu.dma_semaphore, #tpu.memory_space<semaphore_mem>>)
    %dma_wait3A = arith.constant 0 : i32
    %dma_wait3A_62 = arith.constant 0 : i32
    %dma_wait3A_63 = arith.constant 0 : i32
    %dma_wait3A_64 = arith.constant 0 : i32
    %dma_wait3A_65 = tpu.memref_slice %arg6[%dma_wait3A_62, %dma_wait3A_63, %dma_wait3A_64] : memref<5x96x256xf32, #tpu.memory_space<vmem>> -> memref<1x96x256xf32, #tpu.memory_space<vmem>>
    %dma_wait3A_66 = tpu.memref_squeeze %dma_wait3A_65 : memref<1x96x256xf32, #tpu.memory_space<vmem>> -> memref<96x256xf32, #tpu.memory_space<vmem>>
    %dma_wait3A_67 = arith.constant 0 : i32
    %dma_wait3A_68 = tpu.memref_slice %arg5[%dma_wait3A, %dma_wait3A_67] : memref<5x96xi32, #tpu.memory_space<vmem>> -> memref<1x96xi32, #tpu.memory_space<vmem>>
    %dma_wait3A_69 = tpu.memref_squeeze %dma_wait3A_68 : memref<1x96xi32, #tpu.memory_space<vmem>> -> memref<96xi32, #tpu.memory_space<vmem>>
    %dma_wait3A_70 = arith.constant 0 : i32
    %dma_wait3A_71 = arith.constant 0 : i32
    %dma_wait3A_72 = tpu.memref_slice %arg3[%dma_wait3A_70, %dma_wait3A_71] : memref<9216x256xf32, #tpu.memory_space<hbm>> -> memref<9216x256xf32, #tpu.memory_space<hbm>>
    tpu.wait_indirect_dma semaphore(%arg7 : memref<!tpu.dma_semaphore, #tpu.memory_space<semaphore_mem>>) src(%dma_wait3A_72 : memref<9216x256xf32, #tpu.memory_space<hbm>>) dst(%dma_wait3A_66 : memref<96x256xf32, #tpu.memory_space<vmem>>)
    %add3A_73 = arith.constant 0 : i32
    %add3A_74 = arith.addi %mul3A_2, %add3A_73 : i32
    %dma_start3A_75 = arith.constant 0 : i32
    %dma_start3A_76 = arith.constant 0 : i32
    %dma_start3A_77 = arith.constant 0 : i32
    %dma_start3A_78 = tpu.memref_slice %arg6[%dma_start3A_75, %dma_start3A_76, %dma_start3A_77] : memref<5x96x256xf32, #tpu.memory_space<vmem>> -> memref<1x96x256xf32, #tpu.memory_space<vmem>>
    %dma_start3A_79 = tpu.memref_squeeze %dma_start3A_78 : memref<1x96x256xf32, #tpu.memory_space<vmem>> -> memref<96x256xf32, #tpu.memory_space<vmem>>
    %dma_start3A_80 = arith.constant 0 : i32
    %dma_start3A_81 = tpu.memref_slice %arg4[%add3A_74, %dma_start3A_80] : memref<15360x256xf32, #tpu.memory_space<hbm>> -> memref<96x256xf32, #tpu.memory_space<hbm>>
    %dma_start3A_82 = arith.constant 0 : i32
    %dma_start3A_83 = tpu.memref_slice %arg4[%add3A_74, %dma_start3A_82] : memref<15360x256xf32, #tpu.memory_space<hbm>> -> memref<96x256xf32, #tpu.memory_space<hbm>>
    %dma_start3A_84 = arith.constant 0 : i32
    %dma_start3A_85 = arith.constant 0 : i32
    %dma_start3A_86 = tpu.memref_slice %arg6[%dma_start3A_75, %dma_start3A_84, %dma_start3A_85] : memref<5x96x256xf32, #tpu.memory_space<vmem>> -> memref<1x96x256xf32, #tpu.memory_space<vmem>>
    %dma_start3A_87 = tpu.memref_squeeze %dma_start3A_86 : memref<1x96x256xf32, #tpu.memory_space<vmem>> -> memref<96x256xf32, #tpu.memory_space<vmem>>
    tpu.enqueue_dma source(%dma_start3A_87 : memref<96x256xf32, #tpu.memory_space<vmem>>) target(%dma_start3A_83 : memref<96x256xf32, #tpu.memory_space<hbm>>) target_semaphore(%arg12 : memref<!tpu.dma_semaphore, #tpu.memory_space<semaphore_mem>>)
    %dma_wait3A_88 = arith.constant 1 : i32
    %dma_wait3A_89 = arith.constant 1 : i32
    %dma_wait3A_90 = arith.constant 0 : i32
    %dma_wait3A_91 = arith.constant 0 : i32
    %dma_wait3A_92 = tpu.memref_slice %arg6[%dma_wait3A_89, %dma_wait3A_90, %dma_wait3A_91] : memref<5x96x256xf32, #tpu.memory_space<vmem>> -> memref<1x96x256xf32, #tpu.memory_space<vmem>>
    %dma_wait3A_93 = tpu.memref_squeeze %dma_wait3A_92 : memref<1x96x256xf32, #tpu.memory_space<vmem>> -> memref<96x256xf32, #tpu.memory_space<vmem>>
    %dma_wait3A_94 = arith.constant 0 : i32
    %dma_wait3A_95 = tpu.memref_slice %arg5[%dma_wait3A_88, %dma_wait3A_94] : memref<5x96xi32, #tpu.memory_space<vmem>> -> memref<1x96xi32, #tpu.memory_space<vmem>>
    %dma_wait3A_96 = tpu.memref_squeeze %dma_wait3A_95 : memref<1x96xi32, #tpu.memory_space<vmem>> -> memref<96xi32, #tpu.memory_space<vmem>>
    %dma_wait3A_97 = arith.constant 0 : i32
    %dma_wait3A_98 = arith.constant 0 : i32
    %dma_wait3A_99 = tpu.memref_slice %arg3[%dma_wait3A_97, %dma_wait3A_98] : memref<9216x256xf32, #tpu.memory_space<hbm>> -> memref<9216x256xf32, #tpu.memory_space<hbm>>
    tpu.wait_indirect_dma semaphore(%arg8 : memref<!tpu.dma_semaphore, #tpu.memory_space<semaphore_mem>>) src(%dma_wait3A_99 : memref<9216x256xf32, #tpu.memory_space<hbm>>) dst(%dma_wait3A_93 : memref<96x256xf32, #tpu.memory_space<vmem>>)
    %add3A_100 = arith.constant 96 : i32
    %add3A_101 = arith.addi %mul3A_2, %add3A_100 : i32
    %dma_start3A_102 = arith.constant 1 : i32
    %dma_start3A_103 = arith.constant 0 : i32
    %dma_start3A_104 = arith.constant 0 : i32
    %dma_start3A_105 = tpu.memref_slice %arg6[%dma_start3A_102, %dma_start3A_103, %dma_start3A_104] : memref<5x96x256xf32, #tpu.memory_space<vmem>> -> memref<1x96x256xf32, #tpu.memory_space<vmem>>
    %dma_start3A_106 = tpu.memref_squeeze %dma_start3A_105 : memref<1x96x256xf32, #tpu.memory_space<vmem>> -> memref<96x256xf32, #tpu.memory_space<vmem>>
    %dma_start3A_107 = arith.constant 0 : i32
    %dma_start3A_108 = tpu.memref_slice %arg4[%add3A_101, %dma_start3A_107] : memref<15360x256xf32, #tpu.memory_space<hbm>> -> memref<96x256xf32, #tpu.memory_space<hbm>>
    %dma_start3A_109 = arith.constant 0 : i32
    %dma_start3A_110 = tpu.memref_slice %arg4[%add3A_101, %dma_start3A_109] : memref<15360x256xf32, #tpu.memory_space<hbm>> -> memref<96x256xf32, #tpu.memory_space<hbm>>
    %dma_start3A_111 = arith.constant 0 : i32
    %dma_start3A_112 = arith.constant 0 : i32
    %dma_start3A_113 = tpu.memref_slice %arg6[%dma_start3A_102, %dma_start3A_111, %dma_start3A_112] : memref<5x96x256xf32, #tpu.memory_space<vmem>> -> memref<1x96x256xf32, #tpu.memory_space<vmem>>
    %dma_start3A_114 = tpu.memref_squeeze %dma_start3A_113 : memref<1x96x256xf32, #tpu.memory_space<vmem>> -> memref<96x256xf32, #tpu.memory_space<vmem>>
    tpu.enqueue_dma source(%dma_start3A_114 : memref<96x256xf32, #tpu.memory_space<vmem>>) target(%dma_start3A_110 : memref<96x256xf32, #tpu.memory_space<hbm>>) target_semaphore(%arg13 : memref<!tpu.dma_semaphore, #tpu.memory_space<semaphore_mem>>)
    %dma_wait3A_115 = arith.constant 2 : i32
    %dma_wait3A_116 = arith.constant 2 : i32
    %dma_wait3A_117 = arith.constant 0 : i32
    %dma_wait3A_118 = arith.constant 0 : i32
    %dma_wait3A_119 = tpu.memref_slice %arg6[%dma_wait3A_116, %dma_wait3A_117, %dma_wait3A_118] : memref<5x96x256xf32, #tpu.memory_space<vmem>> -> memref<1x96x256xf32, #tpu.memory_space<vmem>>
    %dma_wait3A_120 = tpu.memref_squeeze %dma_wait3A_119 : memref<1x96x256xf32, #tpu.memory_space<vmem>> -> memref<96x256xf32, #tpu.memory_space<vmem>>
    %dma_wait3A_121 = arith.constant 0 : i32
    %dma_wait3A_122 = tpu.memref_slice %arg5[%dma_wait3A_115, %dma_wait3A_121] : memref<5x96xi32, #tpu.memory_space<vmem>> -> memref<1x96xi32, #tpu.memory_space<vmem>>
    %dma_wait3A_123 = tpu.memref_squeeze %dma_wait3A_122 : memref<1x96xi32, #tpu.memory_space<vmem>> -> memref<96xi32, #tpu.memory_space<vmem>>
    %dma_wait3A_124 = arith.constant 0 : i32
    %dma_wait3A_125 = arith.constant 0 : i32
    %dma_wait3A_126 = tpu.memref_slice %arg3[%dma_wait3A_124, %dma_wait3A_125] : memref<9216x256xf32, #tpu.memory_space<hbm>> -> memref<9216x256xf32, #tpu.memory_space<hbm>>
    tpu.wait_indirect_dma semaphore(%arg9 : memref<!tpu.dma_semaphore, #tpu.memory_space<semaphore_mem>>) src(%dma_wait3A_126 : memref<9216x256xf32, #tpu.memory_space<hbm>>) dst(%dma_wait3A_120 : memref<96x256xf32, #tpu.memory_space<vmem>>)
    %add3A_127 = arith.constant 192 : i32
    %add3A_128 = arith.addi %mul3A_2, %add3A_127 : i32
    %dma_start3A_129 = arith.constant 2 : i32
    %dma_start3A_130 = arith.constant 0 : i32
    %dma_start3A_131 = arith.constant 0 : i32
    %dma_start3A_132 = tpu.memref_slice %arg6[%dma_start3A_129, %dma_start3A_130, %dma_start3A_131] : memref<5x96x256xf32, #tpu.memory_space<vmem>> -> memref<1x96x256xf32, #tpu.memory_space<vmem>>
    %dma_start3A_133 = tpu.memref_squeeze %dma_start3A_132 : memref<1x96x256xf32, #tpu.memory_space<vmem>> -> memref<96x256xf32, #tpu.memory_space<vmem>>
    %dma_start3A_134 = arith.constant 0 : i32
    %dma_start3A_135 = tpu.memref_slice %arg4[%add3A_128, %dma_start3A_134] : memref<15360x256xf32, #tpu.memory_space<hbm>> -> memref<96x256xf32, #tpu.memory_space<hbm>>
    %dma_start3A_136 = arith.constant 0 : i32
    %dma_start3A_137 = tpu.memref_slice %arg4[%add3A_128, %dma_start3A_136] : memref<15360x256xf32, #tpu.memory_space<hbm>> -> memref<96x256xf32, #tpu.memory_space<hbm>>
    %dma_start3A_138 = arith.constant 0 : i32
    %dma_start3A_139 = arith.constant 0 : i32
    %dma_start3A_140 = tpu.memref_slice %arg6[%dma_start3A_129, %dma_start3A_138, %dma_start3A_139] : memref<5x96x256xf32, #tpu.memory_space<vmem>> -> memref<1x96x256xf32, #tpu.memory_space<vmem>>
    %dma_start3A_141 = tpu.memref_squeeze %dma_start3A_140 : memref<1x96x256xf32, #tpu.memory_space<vmem>> -> memref<96x256xf32, #tpu.memory_space<vmem>>
    tpu.enqueue_dma source(%dma_start3A_141 : memref<96x256xf32, #tpu.memory_space<vmem>>) target(%dma_start3A_137 : memref<96x256xf32, #tpu.memory_space<hbm>>) target_semaphore(%arg14 : memref<!tpu.dma_semaphore, #tpu.memory_space<semaphore_mem>>)
    %dma_wait3A_142 = arith.constant 3 : i32
    %dma_wait3A_143 = arith.constant 3 : i32
    %dma_wait3A_144 = arith.constant 0 : i32
    %dma_wait3A_145 = arith.constant 0 : i32
    %dma_wait3A_146 = tpu.memref_slice %arg6[%dma_wait3A_143, %dma_wait3A_144, %dma_wait3A_145] : memref<5x96x256xf32, #tpu.memory_space<vmem>> -> memref<1x96x256xf32, #tpu.memory_space<vmem>>
    %dma_wait3A_147 = tpu.memref_squeeze %dma_wait3A_146 : memref<1x96x256xf32, #tpu.memory_space<vmem>> -> memref<96x256xf32, #tpu.memory_space<vmem>>
    %dma_wait3A_148 = arith.constant 0 : i32
    %dma_wait3A_149 = tpu.memref_slice %arg5[%dma_wait3A_142, %dma_wait3A_148] : memref<5x96xi32, #tpu.memory_space<vmem>> -> memref<1x96xi32, #tpu.memory_space<vmem>>
    %dma_wait3A_150 = tpu.memref_squeeze %dma_wait3A_149 : memref<1x96xi32, #tpu.memory_space<vmem>> -> memref<96xi32, #tpu.memory_space<vmem>>
    %dma_wait3A_151 = arith.constant 0 : i32
    %dma_wait3A_152 = arith.constant 0 : i32
    %dma_wait3A_153 = tpu.memref_slice %arg3[%dma_wait3A_151, %dma_wait3A_152] : memref<9216x256xf32, #tpu.memory_space<hbm>> -> memref<9216x256xf32, #tpu.memory_space<hbm>>
    tpu.wait_indirect_dma semaphore(%arg10 : memref<!tpu.dma_semaphore, #tpu.memory_space<semaphore_mem>>) src(%dma_wait3A_153 : memref<9216x256xf32, #tpu.memory_space<hbm>>) dst(%dma_wait3A_147 : memref<96x256xf32, #tpu.memory_space<vmem>>)
    %add3A_154 = arith.constant 288 : i32
    %add3A_155 = arith.addi %mul3A_2, %add3A_154 : i32
    %dma_start3A_156 = arith.constant 3 : i32
    %dma_start3A_157 = arith.constant 0 : i32
    %dma_start3A_158 = arith.constant 0 : i32
    %dma_start3A_159 = tpu.memref_slice %arg6[%dma_start3A_156, %dma_start3A_157, %dma_start3A_158] : memref<5x96x256xf32, #tpu.memory_space<vmem>> -> memref<1x96x256xf32, #tpu.memory_space<vmem>>
    %dma_start3A_160 = tpu.memref_squeeze %dma_start3A_159 : memref<1x96x256xf32, #tpu.memory_space<vmem>> -> memref<96x256xf32, #tpu.memory_space<vmem>>
    %dma_start3A_161 = arith.constant 0 : i32
    %dma_start3A_162 = tpu.memref_slice %arg4[%add3A_155, %dma_start3A_161] : memref<15360x256xf32, #tpu.memory_space<hbm>> -> memref<96x256xf32, #tpu.memory_space<hbm>>
    %dma_start3A_163 = arith.constant 0 : i32
    %dma_start3A_164 = tpu.memref_slice %arg4[%add3A_155, %dma_start3A_163] : memref<15360x256xf32, #tpu.memory_space<hbm>> -> memref<96x256xf32, #tpu.memory_space<hbm>>
    %dma_start3A_165 = arith.constant 0 : i32
    %dma_start3A_166 = arith.constant 0 : i32
    %dma_start3A_167 = tpu.memref_slice %arg6[%dma_start3A_156, %dma_start3A_165, %dma_start3A_166] : memref<5x96x256xf32, #tpu.memory_space<vmem>> -> memref<1x96x256xf32, #tpu.memory_space<vmem>>
    %dma_start3A_168 = tpu.memref_squeeze %dma_start3A_167 : memref<1x96x256xf32, #tpu.memory_space<vmem>> -> memref<96x256xf32, #tpu.memory_space<vmem>>
    tpu.enqueue_dma source(%dma_start3A_168 : memref<96x256xf32, #tpu.memory_space<vmem>>) target(%dma_start3A_164 : memref<96x256xf32, #tpu.memory_space<hbm>>) target_semaphore(%arg15 : memref<!tpu.dma_semaphore, #tpu.memory_space<semaphore_mem>>)
    %dma_wait3A_169 = arith.constant 4 : i32
    %dma_wait3A_170 = arith.constant 4 : i32
    %dma_wait3A_171 = arith.constant 0 : i32
    %dma_wait3A_172 = arith.constant 0 : i32
    %dma_wait3A_173 = tpu.memref_slice %arg6[%dma_wait3A_170, %dma_wait3A_171, %dma_wait3A_172] : memref<5x96x256xf32, #tpu.memory_space<vmem>> -> memref<1x96x256xf32, #tpu.memory_space<vmem>>
    %dma_wait3A_174 = tpu.memref_squeeze %dma_wait3A_173 : memref<1x96x256xf32, #tpu.memory_space<vmem>> -> memref<96x256xf32, #tpu.memory_space<vmem>>
    %dma_wait3A_175 = arith.constant 0 : i32
    %dma_wait3A_176 = tpu.memref_slice %arg5[%dma_wait3A_169, %dma_wait3A_175] : memref<5x96xi32, #tpu.memory_space<vmem>> -> memref<1x96xi32, #tpu.memory_space<vmem>>
    %dma_wait3A_177 = tpu.memref_squeeze %dma_wait3A_176 : memref<1x96xi32, #tpu.memory_space<vmem>> -> memref<96xi32, #tpu.memory_space<vmem>>
    %dma_wait3A_178 = arith.constant 0 : i32
    %dma_wait3A_179 = arith.constant 0 : i32
    %dma_wait3A_180 = tpu.memref_slice %arg3[%dma_wait3A_178, %dma_wait3A_179] : memref<9216x256xf32, #tpu.memory_space<hbm>> -> memref<9216x256xf32, #tpu.memory_space<hbm>>
    tpu.wait_indirect_dma semaphore(%arg11 : memref<!tpu.dma_semaphore, #tpu.memory_space<semaphore_mem>>) src(%dma_wait3A_180 : memref<9216x256xf32, #tpu.memory_space<hbm>>) dst(%dma_wait3A_174 : memref<96x256xf32, #tpu.memory_space<vmem>>)
    %add3A_181 = arith.constant 384 : i32
    %add3A_182 = arith.addi %mul3A_2, %add3A_181 : i32
    %dma_start3A_183 = arith.constant 4 : i32
    %dma_start3A_184 = arith.constant 0 : i32
    %dma_start3A_185 = arith.constant 0 : i32
    %dma_start3A_186 = tpu.memref_slice %arg6[%dma_start3A_183, %dma_start3A_184, %dma_start3A_185] : memref<5x96x256xf32, #tpu.memory_space<vmem>> -> memref<1x96x256xf32, #tpu.memory_space<vmem>>
    %dma_start3A_187 = tpu.memref_squeeze %dma_start3A_186 : memref<1x96x256xf32, #tpu.memory_space<vmem>> -> memref<96x256xf32, #tpu.memory_space<vmem>>
    %dma_start3A_188 = arith.constant 0 : i32
    %dma_start3A_189 = tpu.memref_slice %arg4[%add3A_182, %dma_start3A_188] : memref<15360x256xf32, #tpu.memory_space<hbm>> -> memref<96x256xf32, #tpu.memory_space<hbm>>
    %dma_start3A_190 = arith.constant 0 : i32
    %dma_start3A_191 = tpu.memref_slice %arg4[%add3A_182, %dma_start3A_190] : memref<15360x256xf32, #tpu.memory_space<hbm>> -> memref<96x256xf32, #tpu.memory_space<hbm>>
    %dma_start3A_192 = arith.constant 0 : i32
    %dma_start3A_193 = arith.constant 0 : i32
    %dma_start3A_194 = tpu.memref_slice %arg6[%dma_start3A_183, %dma_start3A_192, %dma_start3A_193] : memref<5x96x256xf32, #tpu.memory_space<vmem>> -> memref<1x96x256xf32, #tpu.memory_space<vmem>>
    %dma_start3A_195 = tpu.memref_squeeze %dma_start3A_194 : memref<1x96x256xf32, #tpu.memory_space<vmem>> -> memref<96x256xf32, #tpu.memory_space<vmem>>
    tpu.enqueue_dma source(%dma_start3A_195 : memref<96x256xf32, #tpu.memory_space<vmem>>) target(%dma_start3A_191 : memref<96x256xf32, #tpu.memory_space<hbm>>) target_semaphore(%arg16 : memref<!tpu.dma_semaphore, #tpu.memory_space<semaphore_mem>>)
    %dma_wait3A_196 = arith.constant 0 : i32
    %dma_wait3A_197 = arith.constant 0 : i32
    %dma_wait3A_198 = arith.constant 0 : i32
    %dma_wait3A_199 = tpu.memref_slice %arg6[%dma_wait3A_196, %dma_wait3A_197, %dma_wait3A_198] : memref<5x96x256xf32, #tpu.memory_space<vmem>> -> memref<1x96x256xf32, #tpu.memory_space<vmem>>
    %dma_wait3A_200 = tpu.memref_squeeze %dma_wait3A_199 : memref<1x96x256xf32, #tpu.memory_space<vmem>> -> memref<96x256xf32, #tpu.memory_space<vmem>>
    %dma_wait3A_201 = arith.constant 0 : i32
    %dma_wait3A_202 = tpu.memref_slice %arg4[%add3A_74, %dma_wait3A_201] : memref<15360x256xf32, #tpu.memory_space<hbm>> -> memref<96x256xf32, #tpu.memory_space<hbm>>
    %dma_wait3A_203 = arith.constant 0 : i32
    %dma_wait3A_204 = tpu.memref_slice %arg4[%add3A_74, %dma_wait3A_203] : memref<15360x256xf32, #tpu.memory_space<hbm>> -> memref<96x256xf32, #tpu.memory_space<hbm>>
    %dma_wait3A_205 = arith.constant 0 : i32
    %dma_wait3A_206 = arith.constant 0 : i32
    %dma_wait3A_207 = tpu.memref_slice %arg6[%dma_wait3A_196, %dma_wait3A_205, %dma_wait3A_206] : memref<5x96x256xf32, #tpu.memory_space<vmem>> -> memref<1x96x256xf32, #tpu.memory_space<vmem>>
    %dma_wait3A_208 = tpu.memref_squeeze %dma_wait3A_207 : memref<1x96x256xf32, #tpu.memory_space<vmem>> -> memref<96x256xf32, #tpu.memory_space<vmem>>
    tpu.wait_dma2 semaphore(%arg12 : memref<!tpu.dma_semaphore, #tpu.memory_space<semaphore_mem>>) src(%dma_wait3A_208 : memref<96x256xf32, #tpu.memory_space<vmem>>) dst(%dma_wait3A_204 : memref<96x256xf32, #tpu.memory_space<hbm>>)
    %dma_wait3A_209 = arith.constant 1 : i32
    %dma_wait3A_210 = arith.constant 0 : i32
    %dma_wait3A_211 = arith.constant 0 : i32
    %dma_wait3A_212 = tpu.memref_slice %arg6[%dma_wait3A_209, %dma_wait3A_210, %dma_wait3A_211] : memref<5x96x256xf32, #tpu.memory_space<vmem>> -> memref<1x96x256xf32, #tpu.memory_space<vmem>>
    %dma_wait3A_213 = tpu.memref_squeeze %dma_wait3A_212 : memref<1x96x256xf32, #tpu.memory_space<vmem>> -> memref<96x256xf32, #tpu.memory_space<vmem>>
    %dma_wait3A_214 = arith.constant 0 : i32
    %dma_wait3A_215 = tpu.memref_slice %arg4[%add3A_101, %dma_wait3A_214] : memref<15360x256xf32, #tpu.memory_space<hbm>> -> memref<96x256xf32, #tpu.memory_space<hbm>>
    %dma_wait3A_216 = arith.constant 0 : i32
    %dma_wait3A_217 = tpu.memref_slice %arg4[%add3A_101, %dma_wait3A_216] : memref<15360x256xf32, #tpu.memory_space<hbm>> -> memref<96x256xf32, #tpu.memory_space<hbm>>
    %dma_wait3A_218 = arith.constant 0 : i32
    %dma_wait3A_219 = arith.constant 0 : i32
    %dma_wait3A_220 = tpu.memref_slice %arg6[%dma_wait3A_209, %dma_wait3A_218, %dma_wait3A_219] : memref<5x96x256xf32, #tpu.memory_space<vmem>> -> memref<1x96x256xf32, #tpu.memory_space<vmem>>
    %dma_wait3A_221 = tpu.memref_squeeze %dma_wait3A_220 : memref<1x96x256xf32, #tpu.memory_space<vmem>> -> memref<96x256xf32, #tpu.memory_space<vmem>>
    tpu.wait_dma2 semaphore(%arg13 : memref<!tpu.dma_semaphore, #tpu.memory_space<semaphore_mem>>) src(%dma_wait3A_221 : memref<96x256xf32, #tpu.memory_space<vmem>>) dst(%dma_wait3A_217 : memref<96x256xf32, #tpu.memory_space<hbm>>)
    %dma_wait3A_222 = arith.constant 2 : i32
    %dma_wait3A_223 = arith.constant 0 : i32
    %dma_wait3A_224 = arith.constant 0 : i32
    %dma_wait3A_225 = tpu.memref_slice %arg6[%dma_wait3A_222, %dma_wait3A_223, %dma_wait3A_224] : memref<5x96x256xf32, #tpu.memory_space<vmem>> -> memref<1x96x256xf32, #tpu.memory_space<vmem>>
    %dma_wait3A_226 = tpu.memref_squeeze %dma_wait3A_225 : memref<1x96x256xf32, #tpu.memory_space<vmem>> -> memref<96x256xf32, #tpu.memory_space<vmem>>
    %dma_wait3A_227 = arith.constant 0 : i32
    %dma_wait3A_228 = tpu.memref_slice %arg4[%add3A_128, %dma_wait3A_227] : memref<15360x256xf32, #tpu.memory_space<hbm>> -> memref<96x256xf32, #tpu.memory_space<hbm>>
    %dma_wait3A_229 = arith.constant 0 : i32
    %dma_wait3A_230 = tpu.memref_slice %arg4[%add3A_128, %dma_wait3A_229] : memref<15360x256xf32, #tpu.memory_space<hbm>> -> memref<96x256xf32, #tpu.memory_space<hbm>>
    %dma_wait3A_231 = arith.constant 0 : i32
    %dma_wait3A_232 = arith.constant 0 : i32
    %dma_wait3A_233 = tpu.memref_slice %arg6[%dma_wait3A_222, %dma_wait3A_231, %dma_wait3A_232] : memref<5x96x256xf32, #tpu.memory_space<vmem>> -> memref<1x96x256xf32, #tpu.memory_space<vmem>>
    %dma_wait3A_234 = tpu.memref_squeeze %dma_wait3A_233 : memref<1x96x256xf32, #tpu.memory_space<vmem>> -> memref<96x256xf32, #tpu.memory_space<vmem>>
    tpu.wait_dma2 semaphore(%arg14 : memref<!tpu.dma_semaphore, #tpu.memory_space<semaphore_mem>>) src(%dma_wait3A_234 : memref<96x256xf32, #tpu.memory_space<vmem>>) dst(%dma_wait3A_230 : memref<96x256xf32, #tpu.memory_space<hbm>>)
    %dma_wait3A_235 = arith.constant 3 : i32
    %dma_wait3A_236 = arith.constant 0 : i32
    %dma_wait3A_237 = arith.constant 0 : i32
    %dma_wait3A_238 = tpu.memref_slice %arg6[%dma_wait3A_235, %dma_wait3A_236, %dma_wait3A_237] : memref<5x96x256xf32, #tpu.memory_space<vmem>> -> memref<1x96x256xf32, #tpu.memory_space<vmem>>
    %dma_wait3A_239 = tpu.memref_squeeze %dma_wait3A_238 : memref<1x96x256xf32, #tpu.memory_space<vmem>> -> memref<96x256xf32, #tpu.memory_space<vmem>>
    %dma_wait3A_240 = arith.constant 0 : i32
    %dma_wait3A_241 = tpu.memref_slice %arg4[%add3A_155, %dma_wait3A_240] : memref<15360x256xf32, #tpu.memory_space<hbm>> -> memref<96x256xf32, #tpu.memory_space<hbm>>
    %dma_wait3A_242 = arith.constant 0 : i32
    %dma_wait3A_243 = tpu.memref_slice %arg4[%add3A_155, %dma_wait3A_242] : memref<15360x256xf32, #tpu.memory_space<hbm>> -> memref<96x256xf32, #tpu.memory_space<hbm>>
    %dma_wait3A_244 = arith.constant 0 : i32
    %dma_wait3A_245 = arith.constant 0 : i32
    %dma_wait3A_246 = tpu.memref_slice %arg6[%dma_wait3A_235, %dma_wait3A_244, %dma_wait3A_245] : memref<5x96x256xf32, #tpu.memory_space<vmem>> -> memref<1x96x256xf32, #tpu.memory_space<vmem>>
    %dma_wait3A_247 = tpu.memref_squeeze %dma_wait3A_246 : memref<1x96x256xf32, #tpu.memory_space<vmem>> -> memref<96x256xf32, #tpu.memory_space<vmem>>
    tpu.wait_dma2 semaphore(%arg15 : memref<!tpu.dma_semaphore, #tpu.memory_space<semaphore_mem>>) src(%dma_wait3A_247 : memref<96x256xf32, #tpu.memory_space<vmem>>) dst(%dma_wait3A_243 : memref<96x256xf32, #tpu.memory_space<hbm>>)
    %dma_wait3A_248 = arith.constant 4 : i32
    %dma_wait3A_249 = arith.constant 0 : i32
    %dma_wait3A_250 = arith.constant 0 : i32
    %dma_wait3A_251 = tpu.memref_slice %arg6[%dma_wait3A_248, %dma_wait3A_249, %dma_wait3A_250] : memref<5x96x256xf32, #tpu.memory_space<vmem>> -> memref<1x96x256xf32, #tpu.memory_space<vmem>>
    %dma_wait3A_252 = tpu.memref_squeeze %dma_wait3A_251 : memref<1x96x256xf32, #tpu.memory_space<vmem>> -> memref<96x256xf32, #tpu.memory_space<vmem>>
    %dma_wait3A_253 = arith.constant 0 : i32
    %dma_wait3A_254 = tpu.memref_slice %arg4[%add3A_182, %dma_wait3A_253] : memref<15360x256xf32, #tpu.memory_space<hbm>> -> memref<96x256xf32, #tpu.memory_space<hbm>>
    %dma_wait3A_255 = arith.constant 0 : i32
    %dma_wait3A_256 = tpu.memref_slice %arg4[%add3A_182, %dma_wait3A_255] : memref<15360x256xf32, #tpu.memory_space<hbm>> -> memref<96x256xf32, #tpu.memory_space<hbm>>
    %dma_wait3A_257 = arith.constant 0 : i32
    %dma_wait3A_258 = arith.constant 0 : i32
    %dma_wait3A_259 = tpu.memref_slice %arg6[%dma_wait3A_248, %dma_wait3A_257, %dma_wait3A_258] : memref<5x96x256xf32, #tpu.memory_space<vmem>> -> memref<1x96x256xf32, #tpu.memory_space<vmem>>
    %dma_wait3A_260 = tpu.memref_squeeze %dma_wait3A_259 : memref<1x96x256xf32, #tpu.memory_space<vmem>> -> memref<96x256xf32, #tpu.memory_space<vmem>>
    tpu.wait_dma2 semaphore(%arg16 : memref<!tpu.dma_semaphore, #tpu.memory_space<semaphore_mem>>) src(%dma_wait3A_260 : memref<96x256xf32, #tpu.memory_space<vmem>>) dst(%dma_wait3A_256 : memref<96x256xf32, #tpu.memory_space<hbm>>)
    return
  }
}

#map = affine_map<(d0, d1) -> (0)>
#map1 = affine_map<(d0, d1) -> (0, 0, 0)>
module attributes {stable_mosaic.version = 14 : i64} {
  func.func @body(%arg0: i32, %arg1: i32, %arg2: memref<8192xi32, #tpu.memory_space<hbm>>, %arg3: memref<8192xi32, #tpu.memory_space<hbm>>, %arg4: memref<32x5x96xi32, #tpu.memory_space<hbm>>, %arg5: memref<8192xi32, #tpu.memory_space<vmem>>, %arg6: memref<8192xi32, #tpu.memory_space<vmem>>, %arg7: memref<480xi32, #tpu.memory_space<vmem>>, %arg8: memref<5x96xi32, #tpu.memory_space<vmem>>) attributes {dimension_semantics = [#tpu.dimension_semantics<core_parallel>, #tpu.dimension_semantics<subcore_parallel>], iteration_bounds = array<i64: 2, 16>, scalar_prefetch = 0 : i64, scratch_operands = 4 : i64, tpu.core_type = #tpu.core_type<sc_vector_subcore>, window_params = [{transform_indices = #map}, {transform_indices = #map}, {transform_indices = #map1}]} {
    %mul3A = arith.constant 2 : i32
    %mul3A_0 = arith.muli %arg1, %mul3A : i32
    %add3A = arith.addi %mul3A_0, %arg0 : i32
    %mul3A_1 = arith.constant 480 : i32
    %mul3A_2 = arith.muli %add3A, %mul3A_1 : i32
    %iota3A = tpu.iota {dimensions = array<i32: 0>} : vector<16xi32>
    "tpu.region"() ({
      %run_scoped3A = tpu.sem_alloc : memref<!tpu.dma_semaphore, #tpu.memory_space<semaphore_mem>>
      tpu.enqueue_dma source(%arg2 : memref<8192xi32, #tpu.memory_space<hbm>>) target(%arg5 : memref<8192xi32, #tpu.memory_space<vmem>>) target_semaphore(%run_scoped3A : memref<!tpu.dma_semaphore, #tpu.memory_space<semaphore_mem>>)
      tpu.wait_dma2 semaphore(%run_scoped3A : memref<!tpu.dma_semaphore, #tpu.memory_space<semaphore_mem>>) src(%arg2 : memref<8192xi32, #tpu.memory_space<hbm>>) dst(%arg5 : memref<8192xi32, #tpu.memory_space<vmem>>)
      tpu.yield
    }) : () -> ()
    "tpu.region"() ({
      %run_scoped3A = tpu.sem_alloc : memref<!tpu.dma_semaphore, #tpu.memory_space<semaphore_mem>>
      tpu.enqueue_dma source(%arg3 : memref<8192xi32, #tpu.memory_space<hbm>>) target(%arg6 : memref<8192xi32, #tpu.memory_space<vmem>>) target_semaphore(%run_scoped3A : memref<!tpu.dma_semaphore, #tpu.memory_space<semaphore_mem>>)
      tpu.wait_dma2 semaphore(%run_scoped3A : memref<!tpu.dma_semaphore, #tpu.memory_space<semaphore_mem>>) src(%arg3 : memref<8192xi32, #tpu.memory_space<hbm>>) dst(%arg6 : memref<8192xi32, #tpu.memory_space<vmem>>)
      tpu.yield
    }) : () -> ()
    %add3A_3 = arith.constant 8192 : i32
    %add3A_4 = vector.broadcast %add3A_3 : i32 to vector<16xi32>
    %add3A_5 = arith.addi %add3A_4, %iota3A : vector<16xi32>
    %swap3A = arith.constant 0 : index
    %swap3A_6 = tpu.vector_load %arg7[%swap3A] {strides = array<i32>} : memref<480xi32, #tpu.memory_space<vmem>>, vector<16xi32>,
    tpu.vector_store %arg7[%swap3A], %add3A_5 {strides = array<i32>} : memref<480xi32, #tpu.memory_space<vmem>>, vector<16xi32>,
    %add3A_7 = arith.constant 8208 : i32
    %add3A_8 = vector.broadcast %add3A_7 : i32 to vector<16xi32>
    %add3A_9 = arith.addi %add3A_8, %iota3A : vector<16xi32>
    %swap3A_10 = arith.constant 16 : index
    %swap3A_11 = tpu.vector_load %arg7[%swap3A_10] {strides = array<i32>} : memref<480xi32, #tpu.memory_space<vmem>>, vector<16xi32>,
    tpu.vector_store %arg7[%swap3A_10], %add3A_9 {strides = array<i32>} : memref<480xi32, #tpu.memory_space<vmem>>, vector<16xi32>,
    %add3A_12 = arith.constant 8224 : i32
    %add3A_13 = vector.broadcast %add3A_12 : i32 to vector<16xi32>
    %add3A_14 = arith.addi %add3A_13, %iota3A : vector<16xi32>
    %swap3A_15 = arith.constant 32 : index
    %swap3A_16 = tpu.vector_load %arg7[%swap3A_15] {strides = array<i32>} : memref<480xi32, #tpu.memory_space<vmem>>, vector<16xi32>,
    tpu.vector_store %arg7[%swap3A_15], %add3A_14 {strides = array<i32>} : memref<480xi32, #tpu.memory_space<vmem>>, vector<16xi32>,
    %add3A_17 = arith.constant 8240 : i32
    %add3A_18 = vector.broadcast %add3A_17 : i32 to vector<16xi32>
    %add3A_19 = arith.addi %add3A_18, %iota3A : vector<16xi32>
    %swap3A_20 = arith.constant 48 : index
    %swap3A_21 = tpu.vector_load %arg7[%swap3A_20] {strides = array<i32>} : memref<480xi32, #tpu.memory_space<vmem>>, vector<16xi32>,
    tpu.vector_store %arg7[%swap3A_20], %add3A_19 {strides = array<i32>} : memref<480xi32, #tpu.memory_space<vmem>>, vector<16xi32>,
    %add3A_22 = arith.constant 8256 : i32
    %add3A_23 = vector.broadcast %add3A_22 : i32 to vector<16xi32>
    %add3A_24 = arith.addi %add3A_23, %iota3A : vector<16xi32>
    %swap3A_25 = arith.constant 64 : index
    %swap3A_26 = tpu.vector_load %arg7[%swap3A_25] {strides = array<i32>} : memref<480xi32, #tpu.memory_space<vmem>>, vector<16xi32>,
    tpu.vector_store %arg7[%swap3A_25], %add3A_24 {strides = array<i32>} : memref<480xi32, #tpu.memory_space<vmem>>, vector<16xi32>,
    %add3A_27 = arith.constant 8272 : i32
    %add3A_28 = vector.broadcast %add3A_27 : i32 to vector<16xi32>
    %add3A_29 = arith.addi %add3A_28, %iota3A : vector<16xi32>
    %swap3A_30 = arith.constant 80 : index
    %swap3A_31 = tpu.vector_load %arg7[%swap3A_30] {strides = array<i32>} : memref<480xi32, #tpu.memory_space<vmem>>, vector<16xi32>,
    tpu.vector_store %arg7[%swap3A_30], %add3A_29 {strides = array<i32>} : memref<480xi32, #tpu.memory_space<vmem>>, vector<16xi32>,
    %add3A_32 = arith.constant 8288 : i32
    %add3A_33 = vector.broadcast %add3A_32 : i32 to vector<16xi32>
    %add3A_34 = arith.addi %add3A_33, %iota3A : vector<16xi32>
    %swap3A_35 = arith.constant 96 : index
    %swap3A_36 = tpu.vector_load %arg7[%swap3A_35] {strides = array<i32>} : memref<480xi32, #tpu.memory_space<vmem>>, vector<16xi32>,
    tpu.vector_store %arg7[%swap3A_35], %add3A_34 {strides = array<i32>} : memref<480xi32, #tpu.memory_space<vmem>>, vector<16xi32>,
    %add3A_37 = arith.constant 8304 : i32
    %add3A_38 = vector.broadcast %add3A_37 : i32 to vector<16xi32>
    %add3A_39 = arith.addi %add3A_38, %iota3A : vector<16xi32>
    %swap3A_40 = arith.constant 112 : index
    %swap3A_41 = tpu.vector_load %arg7[%swap3A_40] {strides = array<i32>} : memref<480xi32, #tpu.memory_space<vmem>>, vector<16xi32>,
    tpu.vector_store %arg7[%swap3A_40], %add3A_39 {strides = array<i32>} : memref<480xi32, #tpu.memory_space<vmem>>, vector<16xi32>,
    %add3A_42 = arith.constant 8320 : i32
    %add3A_43 = vector.broadcast %add3A_42 : i32 to vector<16xi32>
    %add3A_44 = arith.addi %add3A_43, %iota3A : vector<16xi32>
    %swap3A_45 = arith.constant 128 : index
    %swap3A_46 = tpu.vector_load %arg7[%swap3A_45] {strides = array<i32>} : memref<480xi32, #tpu.memory_space<vmem>>, vector<16xi32>,
    tpu.vector_store %arg7[%swap3A_45], %add3A_44 {strides = array<i32>} : memref<480xi32, #tpu.memory_space<vmem>>, vector<16xi32>,
    %add3A_47 = arith.constant 8336 : i32
    %add3A_48 = vector.broadcast %add3A_47 : i32 to vector<16xi32>
    %add3A_49 = arith.addi %add3A_48, %iota3A : vector<16xi32>
    %swap3A_50 = arith.constant 144 : index
    %swap3A_51 = tpu.vector_load %arg7[%swap3A_50] {strides = array<i32>} : memref<480xi32, #tpu.memory_space<vmem>>, vector<16xi32>,
    tpu.vector_store %arg7[%swap3A_50], %add3A_49 {strides = array<i32>} : memref<480xi32, #tpu.memory_space<vmem>>, vector<16xi32>,
    %add3A_52 = arith.constant 8352 : i32
    %add3A_53 = vector.broadcast %add3A_52 : i32 to vector<16xi32>
    %add3A_54 = arith.addi %add3A_53, %iota3A : vector<16xi32>
    %swap3A_55 = arith.constant 160 : index
    %swap3A_56 = tpu.vector_load %arg7[%swap3A_55] {strides = array<i32>} : memref<480xi32, #tpu.memory_space<vmem>>, vector<16xi32>,
    tpu.vector_store %arg7[%swap3A_55], %add3A_54 {strides = array<i32>} : memref<480xi32, #tpu.memory_space<vmem>>, vector<16xi32>,
    %add3A_57 = arith.constant 8368 : i32
    %add3A_58 = vector.broadcast %add3A_57 : i32 to vector<16xi32>
    %add3A_59 = arith.addi %add3A_58, %iota3A : vector<16xi32>
    %swap3A_60 = arith.constant 176 : index
    %swap3A_61 = tpu.vector_load %arg7[%swap3A_60] {strides = array<i32>} : memref<480xi32, #tpu.memory_space<vmem>>, vector<16xi32>,
    tpu.vector_store %arg7[%swap3A_60], %add3A_59 {strides = array<i32>} : memref<480xi32, #tpu.memory_space<vmem>>, vector<16xi32>,
    %add3A_62 = arith.constant 8384 : i32
    %add3A_63 = vector.broadcast %add3A_62 : i32 to vector<16xi32>
    %add3A_64 = arith.addi %add3A_63, %iota3A : vector<16xi32>
    %swap3A_65 = arith.constant 192 : index
    %swap3A_66 = tpu.vector_load %arg7[%swap3A_65] {strides = array<i32>} : memref<480xi32, #tpu.memory_space<vmem>>, vector<16xi32>,
    tpu.vector_store %arg7[%swap3A_65], %add3A_64 {strides = array<i32>} : memref<480xi32, #tpu.memory_space<vmem>>, vector<16xi32>,
    %add3A_67 = arith.constant 8400 : i32
    %add3A_68 = vector.broadcast %add3A_67 : i32 to vector<16xi32>
    %add3A_69 = arith.addi %add3A_68, %iota3A : vector<16xi32>
    %swap3A_70 = arith.constant 208 : index
    %swap3A_71 = tpu.vector_load %arg7[%swap3A_70] {strides = array<i32>} : memref<480xi32, #tpu.memory_space<vmem>>, vector<16xi32>,
    tpu.vector_store %arg7[%swap3A_70], %add3A_69 {strides = array<i32>} : memref<480xi32, #tpu.memory_space<vmem>>, vector<16xi32>,
    %add3A_72 = arith.constant 8416 : i32
    %add3A_73 = vector.broadcast %add3A_72 : i32 to vector<16xi32>
    %add3A_74 = arith.addi %add3A_73, %iota3A : vector<16xi32>
    %swap3A_75 = arith.constant 224 : index
    %swap3A_76 = tpu.vector_load %arg7[%swap3A_75] {strides = array<i32>} : memref<480xi32, #tpu.memory_space<vmem>>, vector<16xi32>,
    tpu.vector_store %arg7[%swap3A_75], %add3A_74 {strides = array<i32>} : memref<480xi32, #tpu.memory_space<vmem>>, vector<16xi32>,
    %add3A_77 = arith.constant 8432 : i32
    %add3A_78 = vector.broadcast %add3A_77 : i32 to vector<16xi32>
    %add3A_79 = arith.addi %add3A_78, %iota3A : vector<16xi32>
    %swap3A_80 = arith.constant 240 : index
    %swap3A_81 = tpu.vector_load %arg7[%swap3A_80] {strides = array<i32>} : memref<480xi32, #tpu.memory_space<vmem>>, vector<16xi32>,
    tpu.vector_store %arg7[%swap3A_80], %add3A_79 {strides = array<i32>} : memref<480xi32, #tpu.memory_space<vmem>>, vector<16xi32>,
    %add3A_82 = arith.constant 8448 : i32
    %add3A_83 = vector.broadcast %add3A_82 : i32 to vector<16xi32>
    %add3A_84 = arith.addi %add3A_83, %iota3A : vector<16xi32>
    %swap3A_85 = arith.constant 256 : index
    %swap3A_86 = tpu.vector_load %arg7[%swap3A_85] {strides = array<i32>} : memref<480xi32, #tpu.memory_space<vmem>>, vector<16xi32>,
    tpu.vector_store %arg7[%swap3A_85], %add3A_84 {strides = array<i32>} : memref<480xi32, #tpu.memory_space<vmem>>, vector<16xi32>,
    %add3A_87 = arith.constant 8464 : i32
    %add3A_88 = vector.broadcast %add3A_87 : i32 to vector<16xi32>
    %add3A_89 = arith.addi %add3A_88, %iota3A : vector<16xi32>
    %swap3A_90 = arith.constant 272 : index
    %swap3A_91 = tpu.vector_load %arg7[%swap3A_90] {strides = array<i32>} : memref<480xi32, #tpu.memory_space<vmem>>, vector<16xi32>,
    tpu.vector_store %arg7[%swap3A_90], %add3A_89 {strides = array<i32>} : memref<480xi32, #tpu.memory_space<vmem>>, vector<16xi32>,
    %add3A_92 = arith.constant 8480 : i32
    %add3A_93 = vector.broadcast %add3A_92 : i32 to vector<16xi32>
    %add3A_94 = arith.addi %add3A_93, %iota3A : vector<16xi32>
    %swap3A_95 = arith.constant 288 : index
    %swap3A_96 = tpu.vector_load %arg7[%swap3A_95] {strides = array<i32>} : memref<480xi32, #tpu.memory_space<vmem>>, vector<16xi32>,
    tpu.vector_store %arg7[%swap3A_95], %add3A_94 {strides = array<i32>} : memref<480xi32, #tpu.memory_space<vmem>>, vector<16xi32>,
    %add3A_97 = arith.constant 8496 : i32
    %add3A_98 = vector.broadcast %add3A_97 : i32 to vector<16xi32>
    %add3A_99 = arith.addi %add3A_98, %iota3A : vector<16xi32>
    %swap3A_100 = arith.constant 304 : index
    %swap3A_101 = tpu.vector_load %arg7[%swap3A_100] {strides = array<i32>} : memref<480xi32, #tpu.memory_space<vmem>>, vector<16xi32>,
    tpu.vector_store %arg7[%swap3A_100], %add3A_99 {strides = array<i32>} : memref<480xi32, #tpu.memory_space<vmem>>, vector<16xi32>,
    %add3A_102 = arith.constant 8512 : i32
    %add3A_103 = vector.broadcast %add3A_102 : i32 to vector<16xi32>
    %add3A_104 = arith.addi %add3A_103, %iota3A : vector<16xi32>
    %swap3A_105 = arith.constant 320 : index
    %swap3A_106 = tpu.vector_load %arg7[%swap3A_105] {strides = array<i32>} : memref<480xi32, #tpu.memory_space<vmem>>, vector<16xi32>,
    tpu.vector_store %arg7[%swap3A_105], %add3A_104 {strides = array<i32>} : memref<480xi32, #tpu.memory_space<vmem>>, vector<16xi32>,
    %add3A_107 = arith.constant 8528 : i32
    %add3A_108 = vector.broadcast %add3A_107 : i32 to vector<16xi32>
    %add3A_109 = arith.addi %add3A_108, %iota3A : vector<16xi32>
    %swap3A_110 = arith.constant 336 : index
    %swap3A_111 = tpu.vector_load %arg7[%swap3A_110] {strides = array<i32>} : memref<480xi32, #tpu.memory_space<vmem>>, vector<16xi32>,
    tpu.vector_store %arg7[%swap3A_110], %add3A_109 {strides = array<i32>} : memref<480xi32, #tpu.memory_space<vmem>>, vector<16xi32>,
    %add3A_112 = arith.constant 8544 : i32
    %add3A_113 = vector.broadcast %add3A_112 : i32 to vector<16xi32>
    %add3A_114 = arith.addi %add3A_113, %iota3A : vector<16xi32>
    %swap3A_115 = arith.constant 352 : index
    %swap3A_116 = tpu.vector_load %arg7[%swap3A_115] {strides = array<i32>} : memref<480xi32, #tpu.memory_space<vmem>>, vector<16xi32>,
    tpu.vector_store %arg7[%swap3A_115], %add3A_114 {strides = array<i32>} : memref<480xi32, #tpu.memory_space<vmem>>, vector<16xi32>,
    %add3A_117 = arith.constant 8560 : i32
    %add3A_118 = vector.broadcast %add3A_117 : i32 to vector<16xi32>
    %add3A_119 = arith.addi %add3A_118, %iota3A : vector<16xi32>
    %swap3A_120 = arith.constant 368 : index
    %swap3A_121 = tpu.vector_load %arg7[%swap3A_120] {strides = array<i32>} : memref<480xi32, #tpu.memory_space<vmem>>, vector<16xi32>,
    tpu.vector_store %arg7[%swap3A_120], %add3A_119 {strides = array<i32>} : memref<480xi32, #tpu.memory_space<vmem>>, vector<16xi32>,
    %add3A_122 = arith.constant 8576 : i32
    %add3A_123 = vector.broadcast %add3A_122 : i32 to vector<16xi32>
    %add3A_124 = arith.addi %add3A_123, %iota3A : vector<16xi32>
    %swap3A_125 = arith.constant 384 : index
    %swap3A_126 = tpu.vector_load %arg7[%swap3A_125] {strides = array<i32>} : memref<480xi32, #tpu.memory_space<vmem>>, vector<16xi32>,
    tpu.vector_store %arg7[%swap3A_125], %add3A_124 {strides = array<i32>} : memref<480xi32, #tpu.memory_space<vmem>>, vector<16xi32>,
    %add3A_127 = arith.constant 8592 : i32
    %add3A_128 = vector.broadcast %add3A_127 : i32 to vector<16xi32>
    %add3A_129 = arith.addi %add3A_128, %iota3A : vector<16xi32>
    %swap3A_130 = arith.constant 400 : index
    %swap3A_131 = tpu.vector_load %arg7[%swap3A_130] {strides = array<i32>} : memref<480xi32, #tpu.memory_space<vmem>>, vector<16xi32>,
    tpu.vector_store %arg7[%swap3A_130], %add3A_129 {strides = array<i32>} : memref<480xi32, #tpu.memory_space<vmem>>, vector<16xi32>,
    %add3A_132 = arith.constant 8608 : i32
    %add3A_133 = vector.broadcast %add3A_132 : i32 to vector<16xi32>
    %add3A_134 = arith.addi %add3A_133, %iota3A : vector<16xi32>
    %swap3A_135 = arith.constant 416 : index
    %swap3A_136 = tpu.vector_load %arg7[%swap3A_135] {strides = array<i32>} : memref<480xi32, #tpu.memory_space<vmem>>, vector<16xi32>,
    tpu.vector_store %arg7[%swap3A_135], %add3A_134 {strides = array<i32>} : memref<480xi32, #tpu.memory_space<vmem>>, vector<16xi32>,
    %add3A_137 = arith.constant 8624 : i32
    %add3A_138 = vector.broadcast %add3A_137 : i32 to vector<16xi32>
    %add3A_139 = arith.addi %add3A_138, %iota3A : vector<16xi32>
    %swap3A_140 = arith.constant 432 : index
    %swap3A_141 = tpu.vector_load %arg7[%swap3A_140] {strides = array<i32>} : memref<480xi32, #tpu.memory_space<vmem>>, vector<16xi32>,
    tpu.vector_store %arg7[%swap3A_140], %add3A_139 {strides = array<i32>} : memref<480xi32, #tpu.memory_space<vmem>>, vector<16xi32>,
    %add3A_142 = arith.constant 8640 : i32
    %add3A_143 = vector.broadcast %add3A_142 : i32 to vector<16xi32>
    %add3A_144 = arith.addi %add3A_143, %iota3A : vector<16xi32>
    %swap3A_145 = arith.constant 448 : index
    %swap3A_146 = tpu.vector_load %arg7[%swap3A_145] {strides = array<i32>} : memref<480xi32, #tpu.memory_space<vmem>>, vector<16xi32>,
    tpu.vector_store %arg7[%swap3A_145], %add3A_144 {strides = array<i32>} : memref<480xi32, #tpu.memory_space<vmem>>, vector<16xi32>,
    %add3A_147 = arith.constant 8656 : i32
    %add3A_148 = vector.broadcast %add3A_147 : i32 to vector<16xi32>
    %add3A_149 = arith.addi %add3A_148, %iota3A : vector<16xi32>
    %swap3A_150 = arith.constant 464 : index
    %swap3A_151 = tpu.vector_load %arg7[%swap3A_150] {strides = array<i32>} : memref<480xi32, #tpu.memory_space<vmem>>, vector<16xi32>,
    tpu.vector_store %arg7[%swap3A_150], %add3A_149 {strides = array<i32>} : memref<480xi32, #tpu.memory_space<vmem>>, vector<16xi32>,
    %scan3A = arith.constant 0 : i32
    %scan3A_152 = arith.constant 0 : i32
    %scan3A_153 = arith.constant 512 : i32
    %scan3A_154 = arith.addi %scan3A_152, %scan3A_153 : i32
    %scan3A_155 = arith.constant 1 : i32
    scf.for %scan3A_336 = %scan3A_152 to %scan3A_154 step %scan3A_155  : i32 {
      %mul3A_337 = arith.constant 16 : i32
      %mul3A_338 = arith.muli %scan3A_336, %mul3A_337 : i32
      %get3A_339 = arith.index_cast %mul3A_338 : i32 to index
      %get3A_340 = tpu.vector_load %arg5[%get3A_339] {strides = array<i32>} : memref<8192xi32, #tpu.memory_space<vmem>>, vector<16xi32>,
      %mul3A_341 = arith.constant 16 : i32
      %mul3A_342 = arith.muli %scan3A_336, %mul3A_341 : i32
      %get3A_343 = arith.index_cast %mul3A_342 : i32 to index
      %get3A_344 = tpu.vector_load %arg6[%get3A_343] {strides = array<i32>} : memref<8192xi32, #tpu.memory_space<vmem>>, vector<16xi32>,
      %mul3A_345 = arith.constant 512 : i32
      %mul3A_346 = vector.broadcast %mul3A_345 : i32 to vector<16xi32>
      %mul3A_347 = arith.muli %get3A_344, %mul3A_346 : vector<16xi32>
      %add3A_348 = arith.addi %mul3A_347, %get3A_340 : vector<16xi32>
      %mul3A_349 = arith.constant 16 : i32
      %mul3A_350 = vector.broadcast %mul3A_349 : i32 to vector<16xi32>
      %mul3A_351 = arith.muli %add3A_348, %mul3A_350 : vector<16xi32>
      %add3A_352 = arith.addi %mul3A_351, %iota3A : vector<16xi32>
      %mul3A_353 = arith.constant 16 : i32
      %mul3A_354 = arith.muli %scan3A_336, %mul3A_353 : i32
      %add3A_355 = vector.broadcast %mul3A_354 : i32 to vector<16xi32>
      %add3A_356 = arith.addi %add3A_355, %iota3A : vector<16xi32>
      %masked_sort3A = arith.constant dense<true> : vector<16xi1>
      %masked_sort3A_357 = arith.constant -2147483648 : i32
      %masked_sort3A_358 = vector.broadcast %masked_sort3A_357 : i32 to vector<16xi32>
      %masked_sort3A_359 = arith.xori %add3A_352, %masked_sort3A_358 : vector<16xi32>
      %masked_sort3A_360, %masked_sort3A_361, %masked_sort3A_362 = tpu.sort %masked_sort3A_359, %add3A_356 masked %masked_sort3A : (vector<16xi32>, vector<16xi32>, vector<16xi1>) -> (vector<16xi1>, vector<16xi32>, vector<16xi32>)
      %masked_sort3A_363 = arith.xori %masked_sort3A_361, %masked_sort3A_358 : vector<16xi32>
      %shift_right_logical3A = arith.constant 4 : i32
      %shift_right_logical3A_364 = vector.broadcast %shift_right_logical3A : i32 to vector<16xi32>
      %shift_right_logical3A_365 = arith.shrui %masked_sort3A_363, %shift_right_logical3A_364 : vector<16xi32>
      %add3A_366 = arith.constant 1 : i32
      %add3A_367 = vector.broadcast %add3A_366 : i32 to vector<16xi32>
      %add3A_368 = arith.addi %iota3A, %add3A_367 : vector<16xi32>
      %min3A = arith.constant 15 : i32
      %min3A_369 = vector.broadcast %min3A : i32 to vector<16xi32>
      %min3A_370 = arith.minsi %add3A_368, %min3A_369 : vector<16xi32>
      %broadcast_in_dim3A = vector.shape_cast %min3A_370 : vector<16xi32> to vector<16x1xi32>
      %gather3A = vector.shape_cast %broadcast_in_dim3A : vector<16x1xi32> to vector<16xi32>
      %gather3A_371 = tpu.dynamic_gather %shift_right_logical3A_365[%gather3A] in [0] : vector<16xi32>, vector<16xi32> -> vector<16xi32>
      %ne3A = arith.cmpi ne, %shift_right_logical3A_365, %gather3A_371 : vector<16xi32>
      %eq3A = arith.constant 15 : i32
      %eq3A_372 = vector.broadcast %eq3A : i32 to vector<16xi32>
      %eq3A_373 = arith.cmpi eq, %iota3A, %eq3A_372 : vector<16xi32>
      %or3A = arith.ori %ne3A, %eq3A_373 : vector<16xi1>
      %ge3A = vector.broadcast %mul3A_2 : i32 to vector<16xi32>
      %ge3A_374 = arith.cmpi sge, %shift_right_logical3A_365, %ge3A : vector<16xi32>
      %add3A_375 = arith.constant 480 : i32
      %add3A_376 = arith.addi %mul3A_2, %add3A_375 : i32
      %lt3A = vector.broadcast %add3A_376 : i32 to vector<16xi32>
      %lt3A_377 = arith.cmpi slt, %shift_right_logical3A_365, %lt3A : vector<16xi32>
      %and3A = arith.andi %ge3A_374, %lt3A_377 : vector<16xi1>
      %and3A_378 = arith.andi %or3A, %and3A : vector<16xi1>
      %sub3A = vector.broadcast %mul3A_2 : i32 to vector<16xi32>
      %sub3A_379 = arith.subi %shift_right_logical3A_365, %sub3A : vector<16xi32>
      %jit3A = arith.constant 0 : i32
      %jit3A_380 = arith.constant 479 : i32
      %max3A = vector.broadcast %jit3A : i32 to vector<16xi32>
      %max3A_381 = arith.maxsi %max3A, %sub3A_379 : vector<16xi32>
      %min3A_382 = vector.broadcast %jit3A_380 : i32 to vector<16xi32>
      %min3A_383 = arith.minsi %min3A_382, %max3A_381 : vector<16xi32>
      tpu.vector_store_idx %arg7[%min3A_383], %masked_sort3A_362 masked %and3A_378 : memref<480xi32, #tpu.memory_space<vmem>>[vector<16xi32>], vector<16xi32>, vector<16xi1>
    }
    %scan3A_156 = arith.constant 512 : i32
    %get3A = arith.constant 0 : index
    %get3A_157 = tpu.vector_load %arg7[%get3A] {strides = array<i32>} : memref<480xi32, #tpu.memory_space<vmem>>, vector<16xi32>,
    %swap3A_158 = arith.constant 0 : i32
    %swap3A_159 = arith.index_cast %swap3A_158 : i32 to index
    %swap3A_160 = arith.constant 0 : index
    %swap3A_161 = tpu.vector_load %arg8[%swap3A_159, %swap3A_160] {strides = array<i32>} : memref<5x96xi32, #tpu.memory_space<vmem>>, vector<16xi32>,
    tpu.vector_store %arg8[%swap3A_159, %swap3A_160], %get3A_157 {strides = array<i32>} : memref<5x96xi32, #tpu.memory_space<vmem>>, vector<16xi32>,
    %get3A_162 = arith.constant 16 : index
    %get3A_163 = tpu.vector_load %arg7[%get3A_162] {strides = array<i32>} : memref<480xi32, #tpu.memory_space<vmem>>, vector<16xi32>,
    %swap3A_164 = arith.constant 0 : i32
    %swap3A_165 = arith.index_cast %swap3A_164 : i32 to index
    %swap3A_166 = arith.constant 16 : index
    %swap3A_167 = tpu.vector_load %arg8[%swap3A_165, %swap3A_166] {strides = array<i32>} : memref<5x96xi32, #tpu.memory_space<vmem>>, vector<16xi32>,
    tpu.vector_store %arg8[%swap3A_165, %swap3A_166], %get3A_163 {strides = array<i32>} : memref<5x96xi32, #tpu.memory_space<vmem>>, vector<16xi32>,
    %get3A_168 = arith.constant 32 : index
    %get3A_169 = tpu.vector_load %arg7[%get3A_168] {strides = array<i32>} : memref<480xi32, #tpu.memory_space<vmem>>, vector<16xi32>,
    %swap3A_170 = arith.constant 0 : i32
    %swap3A_171 = arith.index_cast %swap3A_170 : i32 to index
    %swap3A_172 = arith.constant 32 : index
    %swap3A_173 = tpu.vector_load %arg8[%swap3A_171, %swap3A_172] {strides = array<i32>} : memref<5x96xi32, #tpu.memory_space<vmem>>, vector<16xi32>,
    tpu.vector_store %arg8[%swap3A_171, %swap3A_172], %get3A_169 {strides = array<i32>} : memref<5x96xi32, #tpu.memory_space<vmem>>, vector<16xi32>,
    %get3A_174 = arith.constant 48 : index
    %get3A_175 = tpu.vector_load %arg7[%get3A_174] {strides = array<i32>} : memref<480xi32, #tpu.memory_space<vmem>>, vector<16xi32>,
    %swap3A_176 = arith.constant 0 : i32
    %swap3A_177 = arith.index_cast %swap3A_176 : i32 to index
    %swap3A_178 = arith.constant 48 : index
    %swap3A_179 = tpu.vector_load %arg8[%swap3A_177, %swap3A_178] {strides = array<i32>} : memref<5x96xi32, #tpu.memory_space<vmem>>, vector<16xi32>,
    tpu.vector_store %arg8[%swap3A_177, %swap3A_178], %get3A_175 {strides = array<i32>} : memref<5x96xi32, #tpu.memory_space<vmem>>, vector<16xi32>,
    %get3A_180 = arith.constant 64 : index
    %get3A_181 = tpu.vector_load %arg7[%get3A_180] {strides = array<i32>} : memref<480xi32, #tpu.memory_space<vmem>>, vector<16xi32>,
    %swap3A_182 = arith.constant 0 : i32
    %swap3A_183 = arith.index_cast %swap3A_182 : i32 to index
    %swap3A_184 = arith.constant 64 : index
    %swap3A_185 = tpu.vector_load %arg8[%swap3A_183, %swap3A_184] {strides = array<i32>} : memref<5x96xi32, #tpu.memory_space<vmem>>, vector<16xi32>,
    tpu.vector_store %arg8[%swap3A_183, %swap3A_184], %get3A_181 {strides = array<i32>} : memref<5x96xi32, #tpu.memory_space<vmem>>, vector<16xi32>,
    %get3A_186 = arith.constant 80 : index
    %get3A_187 = tpu.vector_load %arg7[%get3A_186] {strides = array<i32>} : memref<480xi32, #tpu.memory_space<vmem>>, vector<16xi32>,
    %swap3A_188 = arith.constant 0 : i32
    %swap3A_189 = arith.index_cast %swap3A_188 : i32 to index
    %swap3A_190 = arith.constant 80 : index
    %swap3A_191 = tpu.vector_load %arg8[%swap3A_189, %swap3A_190] {strides = array<i32>} : memref<5x96xi32, #tpu.memory_space<vmem>>, vector<16xi32>,
    tpu.vector_store %arg8[%swap3A_189, %swap3A_190], %get3A_187 {strides = array<i32>} : memref<5x96xi32, #tpu.memory_space<vmem>>, vector<16xi32>,
    %get3A_192 = arith.constant 96 : index
    %get3A_193 = tpu.vector_load %arg7[%get3A_192] {strides = array<i32>} : memref<480xi32, #tpu.memory_space<vmem>>, vector<16xi32>,
    %swap3A_194 = arith.constant 1 : i32
    %swap3A_195 = arith.index_cast %swap3A_194 : i32 to index
    %swap3A_196 = arith.constant 0 : index
    %swap3A_197 = tpu.vector_load %arg8[%swap3A_195, %swap3A_196] {strides = array<i32>} : memref<5x96xi32, #tpu.memory_space<vmem>>, vector<16xi32>,
    tpu.vector_store %arg8[%swap3A_195, %swap3A_196], %get3A_193 {strides = array<i32>} : memref<5x96xi32, #tpu.memory_space<vmem>>, vector<16xi32>,
    %get3A_198 = arith.constant 112 : index
    %get3A_199 = tpu.vector_load %arg7[%get3A_198] {strides = array<i32>} : memref<480xi32, #tpu.memory_space<vmem>>, vector<16xi32>,
    %swap3A_200 = arith.constant 1 : i32
    %swap3A_201 = arith.index_cast %swap3A_200 : i32 to index
    %swap3A_202 = arith.constant 16 : index
    %swap3A_203 = tpu.vector_load %arg8[%swap3A_201, %swap3A_202] {strides = array<i32>} : memref<5x96xi32, #tpu.memory_space<vmem>>, vector<16xi32>,
    tpu.vector_store %arg8[%swap3A_201, %swap3A_202], %get3A_199 {strides = array<i32>} : memref<5x96xi32, #tpu.memory_space<vmem>>, vector<16xi32>,
    %get3A_204 = arith.constant 128 : index
    %get3A_205 = tpu.vector_load %arg7[%get3A_204] {strides = array<i32>} : memref<480xi32, #tpu.memory_space<vmem>>, vector<16xi32>,
    %swap3A_206 = arith.constant 1 : i32
    %swap3A_207 = arith.index_cast %swap3A_206 : i32 to index
    %swap3A_208 = arith.constant 32 : index
    %swap3A_209 = tpu.vector_load %arg8[%swap3A_207, %swap3A_208] {strides = array<i32>} : memref<5x96xi32, #tpu.memory_space<vmem>>, vector<16xi32>,
    tpu.vector_store %arg8[%swap3A_207, %swap3A_208], %get3A_205 {strides = array<i32>} : memref<5x96xi32, #tpu.memory_space<vmem>>, vector<16xi32>,
    %get3A_210 = arith.constant 144 : index
    %get3A_211 = tpu.vector_load %arg7[%get3A_210] {strides = array<i32>} : memref<480xi32, #tpu.memory_space<vmem>>, vector<16xi32>,
    %swap3A_212 = arith.constant 1 : i32
    %swap3A_213 = arith.index_cast %swap3A_212 : i32 to index
    %swap3A_214 = arith.constant 48 : index
    %swap3A_215 = tpu.vector_load %arg8[%swap3A_213, %swap3A_214] {strides = array<i32>} : memref<5x96xi32, #tpu.memory_space<vmem>>, vector<16xi32>,
    tpu.vector_store %arg8[%swap3A_213, %swap3A_214], %get3A_211 {strides = array<i32>} : memref<5x96xi32, #tpu.memory_space<vmem>>, vector<16xi32>,
    %get3A_216 = arith.constant 160 : index
    %get3A_217 = tpu.vector_load %arg7[%get3A_216] {strides = array<i32>} : memref<480xi32, #tpu.memory_space<vmem>>, vector<16xi32>,
    %swap3A_218 = arith.constant 1 : i32
    %swap3A_219 = arith.index_cast %swap3A_218 : i32 to index
    %swap3A_220 = arith.constant 64 : index
    %swap3A_221 = tpu.vector_load %arg8[%swap3A_219, %swap3A_220] {strides = array<i32>} : memref<5x96xi32, #tpu.memory_space<vmem>>, vector<16xi32>,
    tpu.vector_store %arg8[%swap3A_219, %swap3A_220], %get3A_217 {strides = array<i32>} : memref<5x96xi32, #tpu.memory_space<vmem>>, vector<16xi32>,
    %get3A_222 = arith.constant 176 : index
    %get3A_223 = tpu.vector_load %arg7[%get3A_222] {strides = array<i32>} : memref<480xi32, #tpu.memory_space<vmem>>, vector<16xi32>,
    %swap3A_224 = arith.constant 1 : i32
    %swap3A_225 = arith.index_cast %swap3A_224 : i32 to index
    %swap3A_226 = arith.constant 80 : index
    %swap3A_227 = tpu.vector_load %arg8[%swap3A_225, %swap3A_226] {strides = array<i32>} : memref<5x96xi32, #tpu.memory_space<vmem>>, vector<16xi32>,
    tpu.vector_store %arg8[%swap3A_225, %swap3A_226], %get3A_223 {strides = array<i32>} : memref<5x96xi32, #tpu.memory_space<vmem>>, vector<16xi32>,
    %get3A_228 = arith.constant 192 : index
    %get3A_229 = tpu.vector_load %arg7[%get3A_228] {strides = array<i32>} : memref<480xi32, #tpu.memory_space<vmem>>, vector<16xi32>,
    %swap3A_230 = arith.constant 2 : i32
    %swap3A_231 = arith.index_cast %swap3A_230 : i32 to index
    %swap3A_232 = arith.constant 0 : index
    %swap3A_233 = tpu.vector_load %arg8[%swap3A_231, %swap3A_232] {strides = array<i32>} : memref<5x96xi32, #tpu.memory_space<vmem>>, vector<16xi32>,
    tpu.vector_store %arg8[%swap3A_231, %swap3A_232], %get3A_229 {strides = array<i32>} : memref<5x96xi32, #tpu.memory_space<vmem>>, vector<16xi32>,
    %get3A_234 = arith.constant 208 : index
    %get3A_235 = tpu.vector_load %arg7[%get3A_234] {strides = array<i32>} : memref<480xi32, #tpu.memory_space<vmem>>, vector<16xi32>,
    %swap3A_236 = arith.constant 2 : i32
    %swap3A_237 = arith.index_cast %swap3A_236 : i32 to index
    %swap3A_238 = arith.constant 16 : index
    %swap3A_239 = tpu.vector_load %arg8[%swap3A_237, %swap3A_238] {strides = array<i32>} : memref<5x96xi32, #tpu.memory_space<vmem>>, vector<16xi32>,
    tpu.vector_store %arg8[%swap3A_237, %swap3A_238], %get3A_235 {strides = array<i32>} : memref<5x96xi32, #tpu.memory_space<vmem>>, vector<16xi32>,
    %get3A_240 = arith.constant 224 : index
    %get3A_241 = tpu.vector_load %arg7[%get3A_240] {strides = array<i32>} : memref<480xi32, #tpu.memory_space<vmem>>, vector<16xi32>,
    %swap3A_242 = arith.constant 2 : i32
    %swap3A_243 = arith.index_cast %swap3A_242 : i32 to index
    %swap3A_244 = arith.constant 32 : index
    %swap3A_245 = tpu.vector_load %arg8[%swap3A_243, %swap3A_244] {strides = array<i32>} : memref<5x96xi32, #tpu.memory_space<vmem>>, vector<16xi32>,
    tpu.vector_store %arg8[%swap3A_243, %swap3A_244], %get3A_241 {strides = array<i32>} : memref<5x96xi32, #tpu.memory_space<vmem>>, vector<16xi32>,
    %get3A_246 = arith.constant 240 : index
    %get3A_247 = tpu.vector_load %arg7[%get3A_246] {strides = array<i32>} : memref<480xi32, #tpu.memory_space<vmem>>, vector<16xi32>,
    %swap3A_248 = arith.constant 2 : i32
    %swap3A_249 = arith.index_cast %swap3A_248 : i32 to index
    %swap3A_250 = arith.constant 48 : index
    %swap3A_251 = tpu.vector_load %arg8[%swap3A_249, %swap3A_250] {strides = array<i32>} : memref<5x96xi32, #tpu.memory_space<vmem>>, vector<16xi32>,
    tpu.vector_store %arg8[%swap3A_249, %swap3A_250], %get3A_247 {strides = array<i32>} : memref<5x96xi32, #tpu.memory_space<vmem>>, vector<16xi32>,
    %get3A_252 = arith.constant 256 : index
    %get3A_253 = tpu.vector_load %arg7[%get3A_252] {strides = array<i32>} : memref<480xi32, #tpu.memory_space<vmem>>, vector<16xi32>,
    %swap3A_254 = arith.constant 2 : i32
    %swap3A_255 = arith.index_cast %swap3A_254 : i32 to index
    %swap3A_256 = arith.constant 64 : index
    %swap3A_257 = tpu.vector_load %arg8[%swap3A_255, %swap3A_256] {strides = array<i32>} : memref<5x96xi32, #tpu.memory_space<vmem>>, vector<16xi32>,
    tpu.vector_store %arg8[%swap3A_255, %swap3A_256], %get3A_253 {strides = array<i32>} : memref<5x96xi32, #tpu.memory_space<vmem>>, vector<16xi32>,
    %get3A_258 = arith.constant 272 : index
    %get3A_259 = tpu.vector_load %arg7[%get3A_258] {strides = array<i32>} : memref<480xi32, #tpu.memory_space<vmem>>, vector<16xi32>,
    %swap3A_260 = arith.constant 2 : i32
    %swap3A_261 = arith.index_cast %swap3A_260 : i32 to index
    %swap3A_262 = arith.constant 80 : index
    %swap3A_263 = tpu.vector_load %arg8[%swap3A_261, %swap3A_262] {strides = array<i32>} : memref<5x96xi32, #tpu.memory_space<vmem>>, vector<16xi32>,
    tpu.vector_store %arg8[%swap3A_261, %swap3A_262], %get3A_259 {strides = array<i32>} : memref<5x96xi32, #tpu.memory_space<vmem>>, vector<16xi32>,
    %get3A_264 = arith.constant 288 : index
    %get3A_265 = tpu.vector_load %arg7[%get3A_264] {strides = array<i32>} : memref<480xi32, #tpu.memory_space<vmem>>, vector<16xi32>,
    %swap3A_266 = arith.constant 3 : i32
    %swap3A_267 = arith.index_cast %swap3A_266 : i32 to index
    %swap3A_268 = arith.constant 0 : index
    %swap3A_269 = tpu.vector_load %arg8[%swap3A_267, %swap3A_268] {strides = array<i32>} : memref<5x96xi32, #tpu.memory_space<vmem>>, vector<16xi32>,
    tpu.vector_store %arg8[%swap3A_267, %swap3A_268], %get3A_265 {strides = array<i32>} : memref<5x96xi32, #tpu.memory_space<vmem>>, vector<16xi32>,
    %get3A_270 = arith.constant 304 : index
    %get3A_271 = tpu.vector_load %arg7[%get3A_270] {strides = array<i32>} : memref<480xi32, #tpu.memory_space<vmem>>, vector<16xi32>,
    %swap3A_272 = arith.constant 3 : i32
    %swap3A_273 = arith.index_cast %swap3A_272 : i32 to index
    %swap3A_274 = arith.constant 16 : index
    %swap3A_275 = tpu.vector_load %arg8[%swap3A_273, %swap3A_274] {strides = array<i32>} : memref<5x96xi32, #tpu.memory_space<vmem>>, vector<16xi32>,
    tpu.vector_store %arg8[%swap3A_273, %swap3A_274], %get3A_271 {strides = array<i32>} : memref<5x96xi32, #tpu.memory_space<vmem>>, vector<16xi32>,
    %get3A_276 = arith.constant 320 : index
    %get3A_277 = tpu.vector_load %arg7[%get3A_276] {strides = array<i32>} : memref<480xi32, #tpu.memory_space<vmem>>, vector<16xi32>,
    %swap3A_278 = arith.constant 3 : i32
    %swap3A_279 = arith.index_cast %swap3A_278 : i32 to index
    %swap3A_280 = arith.constant 32 : index
    %swap3A_281 = tpu.vector_load %arg8[%swap3A_279, %swap3A_280] {strides = array<i32>} : memref<5x96xi32, #tpu.memory_space<vmem>>, vector<16xi32>,
    tpu.vector_store %arg8[%swap3A_279, %swap3A_280], %get3A_277 {strides = array<i32>} : memref<5x96xi32, #tpu.memory_space<vmem>>, vector<16xi32>,
    %get3A_282 = arith.constant 336 : index
    %get3A_283 = tpu.vector_load %arg7[%get3A_282] {strides = array<i32>} : memref<480xi32, #tpu.memory_space<vmem>>, vector<16xi32>,
    %swap3A_284 = arith.constant 3 : i32
    %swap3A_285 = arith.index_cast %swap3A_284 : i32 to index
    %swap3A_286 = arith.constant 48 : index
    %swap3A_287 = tpu.vector_load %arg8[%swap3A_285, %swap3A_286] {strides = array<i32>} : memref<5x96xi32, #tpu.memory_space<vmem>>, vector<16xi32>,
    tpu.vector_store %arg8[%swap3A_285, %swap3A_286], %get3A_283 {strides = array<i32>} : memref<5x96xi32, #tpu.memory_space<vmem>>, vector<16xi32>,
    %get3A_288 = arith.constant 352 : index
    %get3A_289 = tpu.vector_load %arg7[%get3A_288] {strides = array<i32>} : memref<480xi32, #tpu.memory_space<vmem>>, vector<16xi32>,
    %swap3A_290 = arith.constant 3 : i32
    %swap3A_291 = arith.index_cast %swap3A_290 : i32 to index
    %swap3A_292 = arith.constant 64 : index
    %swap3A_293 = tpu.vector_load %arg8[%swap3A_291, %swap3A_292] {strides = array<i32>} : memref<5x96xi32, #tpu.memory_space<vmem>>, vector<16xi32>,
    tpu.vector_store %arg8[%swap3A_291, %swap3A_292], %get3A_289 {strides = array<i32>} : memref<5x96xi32, #tpu.memory_space<vmem>>, vector<16xi32>,
    %get3A_294 = arith.constant 368 : index
    %get3A_295 = tpu.vector_load %arg7[%get3A_294] {strides = array<i32>} : memref<480xi32, #tpu.memory_space<vmem>>, vector<16xi32>,
    %swap3A_296 = arith.constant 3 : i32
    %swap3A_297 = arith.index_cast %swap3A_296 : i32 to index
    %swap3A_298 = arith.constant 80 : index
    %swap3A_299 = tpu.vector_load %arg8[%swap3A_297, %swap3A_298] {strides = array<i32>} : memref<5x96xi32, #tpu.memory_space<vmem>>, vector<16xi32>,
    tpu.vector_store %arg8[%swap3A_297, %swap3A_298], %get3A_295 {strides = array<i32>} : memref<5x96xi32, #tpu.memory_space<vmem>>, vector<16xi32>,
    %get3A_300 = arith.constant 384 : index
    %get3A_301 = tpu.vector_load %arg7[%get3A_300] {strides = array<i32>} : memref<480xi32, #tpu.memory_space<vmem>>, vector<16xi32>,
    %swap3A_302 = arith.constant 4 : i32
    %swap3A_303 = arith.index_cast %swap3A_302 : i32 to index
    %swap3A_304 = arith.constant 0 : index
    %swap3A_305 = tpu.vector_load %arg8[%swap3A_303, %swap3A_304] {strides = array<i32>} : memref<5x96xi32, #tpu.memory_space<vmem>>, vector<16xi32>,
    tpu.vector_store %arg8[%swap3A_303, %swap3A_304], %get3A_301 {strides = array<i32>} : memref<5x96xi32, #tpu.memory_space<vmem>>, vector<16xi32>,
    %get3A_306 = arith.constant 400 : index
    %get3A_307 = tpu.vector_load %arg7[%get3A_306] {strides = array<i32>} : memref<480xi32, #tpu.memory_space<vmem>>, vector<16xi32>,
    %swap3A_308 = arith.constant 4 : i32
    %swap3A_309 = arith.index_cast %swap3A_308 : i32 to index
    %swap3A_310 = arith.constant 16 : index
    %swap3A_311 = tpu.vector_load %arg8[%swap3A_309, %swap3A_310] {strides = array<i32>} : memref<5x96xi32, #tpu.memory_space<vmem>>, vector<16xi32>,
    tpu.vector_store %arg8[%swap3A_309, %swap3A_310], %get3A_307 {strides = array<i32>} : memref<5x96xi32, #tpu.memory_space<vmem>>, vector<16xi32>,
    %get3A_312 = arith.constant 416 : index
    %get3A_313 = tpu.vector_load %arg7[%get3A_312] {strides = array<i32>} : memref<480xi32, #tpu.memory_space<vmem>>, vector<16xi32>,
    %swap3A_314 = arith.constant 4 : i32
    %swap3A_315 = arith.index_cast %swap3A_314 : i32 to index
    %swap3A_316 = arith.constant 32 : index
    %swap3A_317 = tpu.vector_load %arg8[%swap3A_315, %swap3A_316] {strides = array<i32>} : memref<5x96xi32, #tpu.memory_space<vmem>>, vector<16xi32>,
    tpu.vector_store %arg8[%swap3A_315, %swap3A_316], %get3A_313 {strides = array<i32>} : memref<5x96xi32, #tpu.memory_space<vmem>>, vector<16xi32>,
    %get3A_318 = arith.constant 432 : index
    %get3A_319 = tpu.vector_load %arg7[%get3A_318] {strides = array<i32>} : memref<480xi32, #tpu.memory_space<vmem>>, vector<16xi32>,
    %swap3A_320 = arith.constant 4 : i32
    %swap3A_321 = arith.index_cast %swap3A_320 : i32 to index
    %swap3A_322 = arith.constant 48 : index
    %swap3A_323 = tpu.vector_load %arg8[%swap3A_321, %swap3A_322] {strides = array<i32>} : memref<5x96xi32, #tpu.memory_space<vmem>>, vector<16xi32>,
    tpu.vector_store %arg8[%swap3A_321, %swap3A_322], %get3A_319 {strides = array<i32>} : memref<5x96xi32, #tpu.memory_space<vmem>>, vector<16xi32>,
    %get3A_324 = arith.constant 448 : index
    %get3A_325 = tpu.vector_load %arg7[%get3A_324] {strides = array<i32>} : memref<480xi32, #tpu.memory_space<vmem>>, vector<16xi32>,
    %swap3A_326 = arith.constant 4 : i32
    %swap3A_327 = arith.index_cast %swap3A_326 : i32 to index
    %swap3A_328 = arith.constant 64 : index
    %swap3A_329 = tpu.vector_load %arg8[%swap3A_327, %swap3A_328] {strides = array<i32>} : memref<5x96xi32, #tpu.memory_space<vmem>>, vector<16xi32>,
    tpu.vector_store %arg8[%swap3A_327, %swap3A_328], %get3A_325 {strides = array<i32>} : memref<5x96xi32, #tpu.memory_space<vmem>>, vector<16xi32>,
    %get3A_330 = arith.constant 464 : index
    %get3A_331 = tpu.vector_load %arg7[%get3A_330] {strides = array<i32>} : memref<480xi32, #tpu.memory_space<vmem>>, vector<16xi32>,
    %swap3A_332 = arith.constant 4 : i32
    %swap3A_333 = arith.index_cast %swap3A_332 : i32 to index
    %swap3A_334 = arith.constant 80 : index
    %swap3A_335 = tpu.vector_load %arg8[%swap3A_333, %swap3A_334] {strides = array<i32>} : memref<5x96xi32, #tpu.memory_space<vmem>>, vector<16xi32>,
    tpu.vector_store %arg8[%swap3A_333, %swap3A_334], %get3A_331 {strides = array<i32>} : memref<5x96xi32, #tpu.memory_space<vmem>>, vector<16xi32>,
    "tpu.region"() ({
      %run_scoped3A = tpu.sem_alloc : memref<!tpu.dma_semaphore, #tpu.memory_space<semaphore_mem>>
      %dma_start3A = arith.constant 0 : i32
      %dma_start3A_336 = arith.constant 0 : i32
      %dma_start3A_337 = tpu.memref_slice %arg4[%add3A, %dma_start3A, %dma_start3A_336] : memref<32x5x96xi32, #tpu.memory_space<hbm>> -> memref<1x5x96xi32, #tpu.memory_space<hbm>>
      %dma_start3A_338 = tpu.memref_squeeze %dma_start3A_337 : memref<1x5x96xi32, #tpu.memory_space<hbm>> -> memref<5x96xi32, #tpu.memory_space<hbm>>
      %dma_start3A_339 = arith.constant 0 : i32
      %dma_start3A_340 = arith.constant 0 : i32
      %dma_start3A_341 = tpu.memref_slice %arg4[%add3A, %dma_start3A_339, %dma_start3A_340] : memref<32x5x96xi32, #tpu.memory_space<hbm>> -> memref<1x5x96xi32, #tpu.memory_space<hbm>>
      %dma_start3A_342 = tpu.memref_squeeze %dma_start3A_341 : memref<1x5x96xi32, #tpu.memory_space<hbm>> -> memref<5x96xi32, #tpu.memory_space<hbm>>
      tpu.enqueue_dma source(%arg8 : memref<5x96xi32, #tpu.memory_space<vmem>>) target(%dma_start3A_342 : memref<5x96xi32, #tpu.memory_space<hbm>>) target_semaphore(%run_scoped3A : memref<!tpu.dma_semaphore, #tpu.memory_space<semaphore_mem>>)
      %dma_wait3A = arith.constant 0 : i32
      %dma_wait3A_343 = arith.constant 0 : i32
      %dma_wait3A_344 = tpu.memref_slice %arg4[%add3A, %dma_wait3A, %dma_wait3A_343] : memref<32x5x96xi32, #tpu.memory_space<hbm>> -> memref<1x5x96xi32, #tpu.memory_space<hbm>>
      %dma_wait3A_345 = tpu.memref_squeeze %dma_wait3A_344 : memref<1x5x96xi32, #tpu.memory_space<hbm>> -> memref<5x96xi32, #tpu.memory_space<hbm>>
      %dma_wait3A_346 = arith.constant 0 : i32
      %dma_wait3A_347 = arith.constant 0 : i32
      %dma_wait3A_348 = tpu.memref_slice %arg4[%add3A, %dma_wait3A_346, %dma_wait3A_347] : memref<32x5x96xi32, #tpu.memory_space<hbm>> -> memref<1x5x96xi32, #tpu.memory_space<hbm>>
      %dma_wait3A_349 = tpu.memref_squeeze %dma_wait3A_348 : memref<1x5x96xi32, #tpu.memory_space<hbm>> -> memref<5x96xi32, #tpu.memory_space<hbm>>
      tpu.wait_dma2 semaphore(%run_scoped3A : memref<!tpu.dma_semaphore, #tpu.memory_space<semaphore_mem>>) src(%arg8 : memref<5x96xi32, #tpu.memory_space<vmem>>) dst(%dma_wait3A_349 : memref<5x96xi32, #tpu.memory_space<hbm>>)
      tpu.yield
    }) : () -> ()
    return
  }
}

module attributes {stable_mosaic.version = 14 : i64} {
  func.func @_ffn_body(%arg0: i32, %arg1: memref<1024x256xf32, #tpu.memory_space<vmem>>, %arg2: memref<256x1024xf32, #tpu.memory_space<vmem>>, %arg3: memref<1024xf32, #tpu.memory_space<vmem>>, %arg4: memref<1024x256xf32, #tpu.memory_space<vmem>>, %arg5: memref<256xf32, #tpu.memory_space<vmem>>, %arg6: memref<256xf32, #tpu.memory_space<vmem>>, %arg7: memref<256xf32, #tpu.memory_space<vmem>>, %arg8: memref<1024x256xf32, #tpu.memory_space<vmem>>) attributes {dimension_semantics = [#tpu.dimension_semantics<arbitrary>], iteration_bounds = array<i64: 9>, scalar_prefetch = 0 : i64, scratch_operands = 0 : i64, tpu.core_type = #tpu.core_type<tc>, window_params = [{transform_indices = @transform_0, window_bounds = array<i64: 1024, 256>}, {pipeline_mode = #tpu.pipeline_mode<synchronous>, transform_indices = @transform_1, window_bounds = array<i64: 256, 1024>}, {pipeline_mode = #tpu.pipeline_mode<synchronous>, transform_indices = @transform_2, window_bounds = array<i64: 1024>}, {pipeline_mode = #tpu.pipeline_mode<synchronous>, transform_indices = @transform_3, window_bounds = array<i64: 1024, 256>}, {pipeline_mode = #tpu.pipeline_mode<synchronous>, transform_indices = @transform_4, window_bounds = array<i64: 256>}, {pipeline_mode = #tpu.pipeline_mode<synchronous>, transform_indices = @transform_5, window_bounds = array<i64: 256>}, {pipeline_mode = #tpu.pipeline_mode<synchronous>, transform_indices = @transform_6, window_bounds = array<i64: 256>}, {transform_indices = @transform_7, window_bounds = array<i64: 1024, 256>}]} {
    %lt3A = arith.constant 8 : i32
    %lt3A_0 = arith.cmpi slt, %arg0, %lt3A : i32
    %convert_element_type3A = arith.extui %lt3A_0 : i1 to i32
    %cond3A = arith.constant 0 : i32
    %cond3A_1 = arith.cmpi ne, %convert_element_type3A, %cond3A : i32
    scf.if %cond3A_1 {
      %get3A = arith.constant 0 : index
      %get3A_6 = arith.constant 0 : index
      %get3A_7 = vector.load %arg1[%get3A, %get3A_6] : memref<1024x256xf32, #tpu.memory_space<vmem>>, vector<1024x256xf32>
      %get3A_8 = arith.constant 0 : index
      %get3A_9 = arith.constant 0 : index
      %get3A_10 = vector.load %arg2[%get3A_8, %get3A_9] : memref<256x1024xf32, #tpu.memory_space<vmem>>, vector<256x1024xf32>
      %dot_general3A = arith.constant dense<0.000000e+00> : vector<1024x1024xf32>
      %dot_general3A_11 = tpu.matmul %get3A_7, %get3A_10, %dot_general3A {dimension_numbers = #tpu.dot_dimension_numbers<[1], [0], [0], [1], [0, 0, 1, 1], [], []>, transpose_lhs_hint = false} : vector<1024x256xf32>, vector<256x1024xf32>, vector<1024x1024xf32> -> vector<1024x1024xf32>
      %get3A_12 = arith.constant 0 : index
      %get3A_13 = vector.load %arg3[%get3A_12] : memref<1024xf32, #tpu.memory_space<vmem>>, vector<1024xf32>
      %broadcast_in_dim3A = vector.shape_cast %get3A_13 : vector<1024xf32> to vector<1x1024xf32>
      %add3A = vector.broadcast %broadcast_in_dim3A : vector<1x1024xf32> to vector<1024x1024xf32>
      %add3A_14 = arith.addf %dot_general3A_11, %add3A : vector<1024x1024xf32>
      %mul3A = arith.mulf %add3A_14, %add3A_14 : vector<1024x1024xf32>
      %mul3A_15 = arith.constant -0.0713548139 : f32
      %mul3A_16 = vector.broadcast %mul3A_15 : f32 to vector<1024x1024xf32>
      %mul3A_17 = arith.mulf %mul3A_16, %mul3A : vector<1024x1024xf32>
      %add3A_18 = arith.constant -1.59576917 : f32
      %add3A_19 = vector.broadcast %add3A_18 : f32 to vector<1024x1024xf32>
      %add3A_20 = arith.addf %add3A_19, %mul3A_17 : vector<1024x1024xf32>
      %mul3A_21 = arith.mulf %add3A_14, %add3A_20 : vector<1024x1024xf32>
      %exp3A = math.exp %mul3A_21 : vector<1024x1024xf32>
      %add3A_22 = arith.constant 1.000000e+00 : f32
      %add3A_23 = vector.broadcast %add3A_22 : f32 to vector<1024x1024xf32>
      %add3A_24 = arith.addf %add3A_23, %exp3A : vector<1024x1024xf32>
      %div3A = arith.divf %add3A_14, %add3A_24 : vector<1024x1024xf32>
      %get3A_25 = arith.constant 0 : index
      %get3A_26 = arith.constant 0 : index
      %get3A_27 = vector.load %arg4[%get3A_25, %get3A_26] : memref<1024x256xf32, #tpu.memory_space<vmem>>, vector<1024x256xf32>
      %dot_general3A_28 = arith.constant dense<0.000000e+00> : vector<1024x256xf32>
      %dot_general3A_29 = tpu.matmul %div3A, %get3A_27, %dot_general3A_28 {dimension_numbers = #tpu.dot_dimension_numbers<[1], [0], [0], [1], [0, 0, 1, 1], [], []>, transpose_lhs_hint = false} : vector<1024x1024xf32>, vector<1024x256xf32>, vector<1024x256xf32> -> vector<1024x256xf32>
      %get3A_30 = arith.constant 0 : index
      %get3A_31 = vector.load %arg5[%get3A_30] : memref<256xf32, #tpu.memory_space<vmem>>, vector<256xf32>
      %broadcast_in_dim3A_32 = vector.shape_cast %get3A_31 : vector<256xf32> to vector<1x256xf32>
      %add3A_33 = vector.broadcast %broadcast_in_dim3A_32 : vector<1x256xf32> to vector<1024x256xf32>
      %add3A_34 = arith.addf %dot_general3A_29, %add3A_33 : vector<1024x256xf32>
      %add3A_35 = arith.addf %get3A_7, %add3A_34 : vector<1024x256xf32>
      %reduce_sum3A = arith.constant dense<0.000000e+00> : vector<1024xf32>
      %reduce_sum3A_36 = vector.multi_reduction <add>, %add3A_35, %reduce_sum3A [1] : vector<1024x256xf32> to vector<1024xf32>
      %broadcast_in_dim3A_37 = vector.shape_cast %reduce_sum3A_36 : vector<1024xf32> to vector<1024x1xf32>
      %div3A_38 = arith.constant 2.560000e+02 : f32
      %div3A_39 = vector.broadcast %div3A_38 : f32 to vector<1024x1xf32>
      %div3A_40 = arith.divf %broadcast_in_dim3A_37, %div3A_39 : vector<1024x1xf32>
      %sub3A = vector.broadcast %div3A_40 : vector<1024x1xf32> to vector<1024x256xf32>
      %sub3A_41 = arith.subf %add3A_35, %sub3A : vector<1024x256xf32>
      %integer_pow3A = arith.mulf %sub3A_41, %sub3A_41 : vector<1024x256xf32>
      %reduce_sum3A_42 = arith.constant dense<0.000000e+00> : vector<1024xf32>
      %reduce_sum3A_43 = vector.multi_reduction <add>, %integer_pow3A, %reduce_sum3A_42 [1] : vector<1024x256xf32> to vector<1024xf32>
      %broadcast_in_dim3A_44 = vector.shape_cast %reduce_sum3A_43 : vector<1024xf32> to vector<1024x1xf32>
      %div3A_45 = arith.constant 2.560000e+02 : f32
      %div3A_46 = vector.broadcast %div3A_45 : f32 to vector<1024x1xf32>
      %div3A_47 = arith.divf %broadcast_in_dim3A_44, %div3A_46 : vector<1024x1xf32>
      %sub3A_48 = vector.broadcast %div3A_40 : vector<1024x1xf32> to vector<1024x256xf32>
      %sub3A_49 = arith.subf %add3A_35, %sub3A_48 : vector<1024x256xf32>
      %add3A_50 = arith.constant 9.99999974E-6 : f32
      %add3A_51 = vector.broadcast %add3A_50 : f32 to vector<1024x1xf32>
      %add3A_52 = arith.addf %div3A_47, %add3A_51 : vector<1024x1xf32>
      %rsqrt3A = math.rsqrt %add3A_52 : vector<1024x1xf32>
      %mul3A_53 = vector.broadcast %rsqrt3A : vector<1024x1xf32> to vector<1024x256xf32>
      %mul3A_54 = arith.mulf %sub3A_49, %mul3A_53 : vector<1024x256xf32>
      %get3A_55 = arith.constant 0 : index
      %get3A_56 = vector.load %arg6[%get3A_55] : memref<256xf32, #tpu.memory_space<vmem>>, vector<256xf32>
      %broadcast_in_dim3A_57 = vector.shape_cast %get3A_56 : vector<256xf32> to vector<1x256xf32>
      %mul3A_58 = vector.broadcast %broadcast_in_dim3A_57 : vector<1x256xf32> to vector<1024x256xf32>
      %mul3A_59 = arith.mulf %mul3A_54, %mul3A_58 : vector<1024x256xf32>
      %get3A_60 = arith.constant 0 : index
      %get3A_61 = vector.load %arg7[%get3A_60] : memref<256xf32, #tpu.memory_space<vmem>>, vector<256xf32>
      %broadcast_in_dim3A_62 = vector.shape_cast %get3A_61 : vector<256xf32> to vector<1x256xf32>
      %add3A_63 = vector.broadcast %broadcast_in_dim3A_62 : vector<1x256xf32> to vector<1024x256xf32>
      %add3A_64 = arith.addf %mul3A_59, %add3A_63 : vector<1024x256xf32>
      %swap3A = arith.constant 0 : index
      %swap3A_65 = arith.constant 0 : index
      %swap3A_66 = vector.load %arg8[%swap3A, %swap3A_65] : memref<1024x256xf32, #tpu.memory_space<vmem>>, vector<1024x256xf32>
      tpu.vector_store %arg8[%swap3A, %swap3A_65], %add3A_64 {strides = array<i32>} : memref<1024x256xf32, #tpu.memory_space<vmem>>, vector<1024x256xf32>,
    } else {
    }
    %ge3A = arith.constant 8 : i32
    %ge3A_2 = arith.cmpi sge, %arg0, %ge3A : i32
    %convert_element_type3A_3 = arith.extui %ge3A_2 : i1 to i32
    %cond3A_4 = arith.constant 0 : i32
    %cond3A_5 = arith.cmpi ne, %convert_element_type3A_3, %cond3A_4 : i32
    scf.if %cond3A_5 {
      %broadcast_in_dim3A = arith.constant 0.000000e+00 : f32
      %broadcast_in_dim3A_6 = vector.broadcast %broadcast_in_dim3A : f32 to vector<1024x256xf32>
      %swap3A = arith.constant 0 : index
      %swap3A_7 = arith.constant 0 : index
      %swap3A_8 = vector.load %arg8[%swap3A, %swap3A_7] : memref<1024x256xf32, #tpu.memory_space<vmem>>, vector<1024x256xf32>
      tpu.vector_store %arg8[%swap3A, %swap3A_7], %broadcast_in_dim3A_6 {strides = array<i32>} : memref<1024x256xf32, #tpu.memory_space<vmem>>, vector<1024x256xf32>,
    } else {
    }
    return
  }
  func.func @transform_0(%arg0: i32) -> (i32, i32) {
    %min3A = arith.constant 7 : i32
    %min3A_0 = arith.minsi %arg0, %min3A : i32
    %c0_i32 = arith.constant 0 : i32
    %c0_i32_1 = arith.constant 0 : i32
    return %min3A_0, %c0_i32 : i32, i32
  }
  func.func @transform_1(%arg0: i32) -> (i32, i32) {
    %c0_i32 = arith.constant 0 : i32
    %c0_i32_0 = arith.constant 0 : i32
    %c0_i32_1 = arith.constant 0 : i32
    return %c0_i32, %c0_i32_0 : i32, i32
  }
  func.func @transform_2(%arg0: i32) -> i32 {
    %c0_i32 = arith.constant 0 : i32
    %c0_i32_0 = arith.constant 0 : i32
    return %c0_i32 : i32
  }
  func.func @transform_3(%arg0: i32) -> (i32, i32) {
    %c0_i32 = arith.constant 0 : i32
    %c0_i32_0 = arith.constant 0 : i32
    %c0_i32_1 = arith.constant 0 : i32
    return %c0_i32, %c0_i32_0 : i32, i32
  }
  func.func @transform_4(%arg0: i32) -> i32 {
    %c0_i32 = arith.constant 0 : i32
    %c0_i32_0 = arith.constant 0 : i32
    return %c0_i32 : i32
  }
  func.func @transform_5(%arg0: i32) -> i32 {
    %c0_i32 = arith.constant 0 : i32
    %c0_i32_0 = arith.constant 0 : i32
    return %c0_i32 : i32
  }
  func.func @transform_6(%arg0: i32) -> i32 {
    %c0_i32 = arith.constant 0 : i32
    %c0_i32_0 = arith.constant 0 : i32
    return %c0_i32 : i32
  }
  func.func @transform_7(%arg0: i32) -> (i32, i32) {
    %c0_i32 = arith.constant 0 : i32
    %c0_i32_0 = arith.constant 0 : i32
    return %arg0, %c0_i32 : i32, i32
  }
}

</mosaic_0001>

<sc_bundles>
// kernel: kernel.5.cloned.1.call-start
scs
__scs_entry_jumppad:
0x0: {  	(pc) =	sbr.rel $0x88, $3  }
0x1: {  	(tag) =	ssettag $0x0;
	lr =	simm.s32 $0x1  }
0x2: {  	[smem:$0x3F98] =	sst lr;
	_ =	strace $0xD0000000  }
0x3: {  	_ = 	snop  }
0x4: {  	_ = 	snop  }
0x5: {  	_ = 	snop  }
0x6: {  	_ = 	snop  }
0x7: {  	_ = 	snop  }
__scs_overlays_trampoline_lowered:
0x8: {  	[smem:$0x3FA7] =	sst s0  }
0x9: {  	[smem:$0x3FA8] =	sst s1  }
0xa: {  	[smem:$0x3FA9] =	sst s2  }
0xb: {  	[smem:$0x3FAA] =	sst s3  }
0xc: {  	[smem:$0x3FAB] =	sst s4  }
0xd: {  	[smem:$0x3FAC] =	sst s5  }
0xe: {  	[smem:$0x3FAD] =	sst s6  }
0xf: {  	[smem:$0x3FAE] =	sst s7  }
0x10: {  	[smem:$0x3FAF] =	sst s8  }
0x11: {  	[smem:$0x3FB0] =	sst s9;
	s0 =	simm.s32 @!p0 $0x0  }
0x12: {  	s1 =	sld [smem:$0x3F96];
	s0 =	simm.s32 @p0 $0x1  }
0x13: {  	[smem:$0x3FB1] =	sst s0;
	s0 =	simm.s32 @!p1 $0x0  }
0x14: {  	s2 =	sld [smem:$0x3F95];
	s0 =	simm.s32 @p1 $0x1  }
0x15: {  	[smem:$0x3FB2] =	sst s0;
	s0 =	simm.s32 @!p2 $0x0  }
0x16: {  	s3 =	sld [smem:$0x3FDB];
	s0 =	simm.s32 @p2 $0x1  }
0x17: {  	s4 =	simm.s32 $0x1BF5;
	[smem:$0x3FB4] =	sst s0  }
0x18: {  	s0 =	sld [smem:$0x3F97];
	_ =	swait.ge [sflag:s4], $0x0  }
0x19: {  	s7 =	sld [smem:$0x3F98]  }
0x1a: {  	s8 =	sadd.s32 $0xFFFFE003, lr  }
0x1b: {  	s9 =	sadd.s32 $0xFFFFFEF7, lr;
	s5 =	simm.s32 $0xFFFFFFFF;
	p2 =	slt.u32 s8, $0xFFFFF086  }
0x1c: {  	p1 =	slt.u32 s9, $0xF7A;
	s5 =	simm.s32 @!p2 $0x0  }
0x1d: {  	s5 =	simm.s32 @p1 $0x1;
	p0 =	seq.s32 s7, s2  }
0x1e: {  	s7 =	smul.u32 @!p0 $0xF7A, s2;
	p2 =	seq.s32 @!p0 s5, $0x0  }
0x1f: {  	s9 =	smul.u32 $0xF7A, s1;
	s8 =	simm.s32 @!p0 $0x1BF5;
	p2 =	por !p2, p0  }
0x20: {  	[sflag:s8] =	ssyncset.s32 @!p0 $0xFFFFF086;
	s6 =	sadd.s32 @!p0 s3, s7;
	s7 =	simm.s32 @!p0 $0x108  }
0x21: {  	s3 =	sadd.s32 s3, s9;
	s6 =	sadd.s32 @!p0 $0x88, s6;
	s7 =	simm.s32 @p2 $0x1082  }
0x22: {  	[simem:s7], [sflag:s8] =	dma.local @!p0 [hbm:s6], $0xF7A  }
0x23: {  	s9 =	sor.u32 $0xD0000000, s2;
	s6 =	simm.s32 $0x108;
	_ =	swait.ge @!p0 [sflag:s8], $0x0  }
0x24: {  	s3 =	sadd.s32 $0x88, s3;
	s6 =	simm.s32 @!p1 $0x1082;
	[sflag:s4] =	ssyncset.s32 $0xFFFFF086  }
0x25: {  	[simem:s6], [sflag:s4] =	dma.local [hbm:s3], $0xF7A  }
0x26: {  	[smem:$0x3F98] =	sst s1;
	(tag) =	ssettag s2;
	_ =	strace s9  }
0x27: {  	s1 =	sld [smem:$0x3FA8]  }
0x28: {  	s2 =	sld [smem:$0x3FA9]  }
0x29: {  	s4 =	sld [smem:$0x3FAB]  }
0x2a: {  	p0 =	seq.s32 s5, $0x0;
	s5 =	sld [smem:$0x3FAC]  }
0x2b: {  	s6 =	sld [smem:$0x3FAD]  }
0x2c: {  	s7 =	sld [smem:$0x3FAE]  }
0x2d: {  	s3 =	simm.s32 $0x108;
	s8 =	sld [smem:$0x3FAF]  }
0x2e: {  	s3 =	simm.s32 @!p0 $0x1082;
	s9 =	sld [smem:$0x3FB0]  }
0x2f: {  	lr =	sadd.s32 s0, s3;
	s0 =	sld [smem:$0x3FA7]  }
0x30: {  	s3 =	sld [smem:$0x3FAA]  }
0x31: {  	[smem:$0x3FB3] =	sst s10  }
0x32: {  	s10 =	sld [smem:$0x3FB1];
	_ =	sdelay $0x3  }
0x33: {  	p0 =	seq.s32 s10, $0x1;
	s10 =	sld [smem:$0x3FB3];
	_ =	sdelay $0x3  }
0x34: {  	[smem:$0x3FB3] =	sst s10  }
0x35: {  	s10 =	sld [smem:$0x3FB2];
	_ =	sdelay $0x3  }
0x36: {  	p1 =	seq.s32 s10, $0x1;
	s10 =	sld [smem:$0x3FB3];
	_ =	sdelay $0x3  }
0x37: {  	[smem:$0x3FB3] =	sst s10  }
0x38: {  	s10 =	sld [smem:$0x3FB4]  }
0x39: {  	_ = 	snop;
	(pc) =	sbr.ind lr, $3  }
0x3a: {  	_ = 	snop  }
0x3b: {  	_ = 	snop  }
0x3c: {  	p2 =	seq.s32 s10, $0x1;
	s10 =	sld [smem:$0x3FB3]  }
0x3d: {  	_ =	shalt  }
0x3e: {  	_ =	shalt  }
0x3f: {  	_ =	shalt  }
0x40: {  	_ =	shalt  }
0x41: {  	_ =	shalt  }
0x42: {  	_ =	shalt  }
0x43: {  	_ =	shalt  }
0x44: {  	_ =	shalt  }
0x45: {  	_ =	shalt  }
0x46: {  	_ =	shalt  }
0x47: {  	_ =	shalt  }
0x48: {  	_ =	shalt  }
0x49: {  	_ =	shalt  }
0x4a: {  	_ =	shalt  }
0x4b: {  	_ =	shalt  }
0x4c: {  	_ =	shalt  }
0x4d: {  	_ =	shalt  }
0x4e: {  	_ =	shalt  }
0x4f: {  	_ =	shalt  }
0x50: {  	_ =	shalt  }
0x51: {  	_ =	shalt  }
0x52: {  	_ =	shalt  }
0x53: {  	_ =	shalt  }
0x54: {  	_ =	shalt  }
0x55: {  	_ =	shalt  }
0x56: {  	_ =	shalt  }
0x57: {  	_ =	shalt  }
0x58: {  	_ =	shalt  }
0x59: {  	_ =	shalt  }
0x5a: {  	_ =	shalt  }
0x5b: {  	_ =	shalt  }
0x5c: {  	_ =	shalt  }
0x5d: {  	_ =	shalt  }
0x5e: {  	_ =	shalt  }
0x5f: {  	_ =	shalt  }
0x60: {  	_ =	shalt  }
0x61: {  	_ =	shalt  }
0x62: {  	_ =	shalt  }
0x63: {  	_ =	shalt  }
0x64: {  	_ =	shalt  }
0x65: {  	_ =	shalt  }
0x66: {  	_ =	shalt  }
0x67: {  	_ =	shalt  }
0x68: {  	_ =	shalt  }
0x69: {  	_ =	shalt  }
0x6a: {  	_ =	shalt  }
0x6b: {  	_ =	shalt  }
0x6c: {  	_ =	shalt  }
0x6d: {  	_ =	shalt  }
0x6e: {  	_ =	shalt  }
0x6f: {  	_ =	shalt  }
0x70: {  	_ =	shalt  }
0x71: {  	_ =	shalt  }
0x72: {  	_ =	shalt  }
0x73: {  	_ =	shalt  }
0x74: {  	_ =	shalt  }
0x75: {  	_ =	shalt  }
0x76: {  	_ =	shalt  }
0x77: {  	_ =	shalt  }
0x78: {  	_ =	shalt  }
0x79: {  	_ =	shalt  }
0x7a: {  	_ =	shalt  }
0x7b: {  	_ =	shalt  }
0x7c: {  	_ =	shalt  }
0x7d: {  	_ =	shalt  }
0x7e: {  	_ =	shalt  }
0x7f: {  	_ =	shalt  }
0x80: {  	_ =	shalt  }
0x81: {  	_ =	shalt  }
0x82: {  	_ =	shalt  }
0x83: {  	_ =	shalt  }
0x84: {  	_ =	shalt  }
0x85: {  	_ =	shalt  }
0x86: {  	_ =	shalt  }
0x87: {  	_ =	shalt  }
.Lfunc_end0:
.L_simem_size_0:
called_computation_lowered:
.L_overlay_start_0:
0x88: {  	s2 =	sld [smem:$0x3FD9]  }
0x89: {  	s3 =	sld [smem:$0x3FFE];
	_ =	sdelay $0x1  }
0x8a: {  	s1 =	srdreg.scid  }
0x8b: {  	s0 =	sand.u32 $0x1, s1  }
0x8c: {  	s17 =	sshll.u32 s0, $0xA;
	s2 =	sadd.s32 s3, s2  }
0x8d: {  	s2 =	sadd.s32 s2, s17  }
0x8e: {  	[smem:$0x3FBF] =	sst s2  }
0x8f: {  	_ = 	snop  }
0x90: {  	s2 =	sld [smem:$0x3FC8]  }
0x91: {  	s18 =	sld [smem:$0x3FC7];
	(tm) =	ssettm $0x1  }
0x92: {  	s4 =	sld [smem:$0x3FFB];
	_ =	sdelay $0x3  }
0x93: {  	_ =	strace s4  }
0x94: {  	s4 =	sld [smem:$0x3FFC];
	_ =	sdelay $0x3  }
0x95: {  	_ =	strace s4  }
0x96: {  	s4 =	sld [smem:$0x3FFD];
	_ =	sdelay $0x3  }
0x97: {  	_ =	strace s4  }
0x98: {  	_ =	strace $0x8FFFFFFF  }
0x99: {  	s19 =	sld [smem:$0x3FDB];
	_ =	sdelay $0x1  }
0x9a: {  	s5 =	simm.s32 $_scs_section_size  }
0x9b: {  	s6 =	simm.s32 $_size__tile_overlayer_lowered;
	s7 =	simm.s32 $_tile_overlayer_lowered  }
0x9c: {  	s22 =	simm.s32 $0x1BFF;
	s21 =	sshll.u32 s7, $0x1;
	s4 =	sadd.s32 s5, s19  }
0x9d: {  	s8 =	simm.s32 $0x0;
	s20 =	sshll.u32 s6, $0x1;
	s6 =	sadd.s32 s21, s4  }
0x9e: {  	[timem:s8], [sflag:s22] =	dma.local [hbm:s6], s20  }
0x9f: {  	_ =	swait.ge [sflag:s22], s20  }
0xa0: {  	s5 =	ssub.s32 $0x0, s20;
	[sflag:s22] =	ssyncset.done $0x0  }
0xa1: {  	[sflag:s22] =	ssyncadd.s32 s5;
	_ =	sdelay $0x1  }
0xa2: {  	s23 =	simm.s32 $0x1B8B  }
0xa3: {  	_ =	swait.ge [sflag:s23], $0x1  }
0xa4: {  	[sflag:s23] =	ssyncset.done $0x0  }
0xa5: {  	s25 =	simm.s32 $0x1B8E;
	s24 =	sld [smem:$0x3FFE];
	[sflag:s23] =	ssyncadd.s32 $0xFFFFFFFF  }
0xa6: {  	s26 =	simm.s32 $execute0_lowered;
	[smem:$0x3FD2] =	sst s25  }
0xa7: {  	s6 =	sshll.u32 s26, $0x1;
	_ =	strace $0x80000046;
	[dreg:$0x1] =	wrdreg $0xFFFFFFFF  }
0xa8: {  	s28 =	simm.s32 $_size_execute0_lowered;
	s4 =	sadd.s32 s4, s6;
	[dreg:$0x0] =	wrdreg $0x0  }
0xa9: {  	s6 =	sshll.u32 s28, $0x1;
	[dreg:$0x2] =	wrdreg s4  }
0xaa: {  	[dreg:$0x3] =	wrdreg s6  }
0xab: {  	[dreg:$0x4] =	wrdreg $0xC0  }
0xac: {  	_ =	task [dreg:s8], $0x5FFFF  }
0xad: {  	[dreg:$0x1] =	wrdreg $0xFFFFFFFF  }
0xae: {  	[dreg:$0x0] =	wrdreg $0x60  }
0xaf: {  	[dreg:$0x2] =	wrdreg s2  }
0xb0: {  	[dreg:$0x3] =	wrdreg s18  }
0xb1: {  	[dreg:$0x4] =	wrdreg s24  }
0xb2: {  	[dreg:$0x5] =	wrdreg $0x9  }
0xb3: {  	_ =	task.clear_ibuf [dreg:s8], $0x6FFFF;
	_ =	strace $0x90000046  }
0xb4: {  	s29 =	simm.s32 $0x9;
	_ =	strace $0x80000048  }
0xb5: {  	_ =	swait.ge [sflag:s29], $0x1  }
0xb6: {  	[sflag:s29] =	ssyncadd.s32 $0xFFFFFFFF  }
0xb7: {  	_ =	strace $0x90000048  }
0xb8: {  	_ =	sfence  }
0xb9: {  	s30 =	sld [smem:$0x0];
	_ =	sdelay $0x2  }
0xba: {  	s31 =	sshll.u32 s1, $0xD;
	s1 =	sshrl.u32 s1, $0x2  }
0xbb: {  	s3 =	sand.u32 $0x4000, s31;
	s1 =	sadd.s32 s1, s30  }
0xbc: {  	s0 =	sor.u32 s3, s0;
	s1 =	sshll.u32 s1, $0x11  }
0xbd: {  	s0 =	sor.u32 s1, s0  }
0xbe: {  	s0 =	sadd.s32 $0x8F2B, s0  }
0xbf: {  	[sflag:s0] =	ssyncadd.remote.s32 $0x1  }
0xc0: {  	_ =	sfence.sel $0xFFFF  }
0xc1: {  	[dreg:$0x0] =	wrdreg $0xFFFFFFFF;
	(pc) =	sbr.abs _section_cstart, $3  }
0xc2: {  	[dreg:$0x1] =	wrdreg $0xFFFFFFFF  }
0xc3: {  	_ =	task.clear_ibuf [dreg:s8], $0x2FFFF;
	_ =	strace $0x9FFFFFFF  }
0xc4: {  	(tm) =	ssettm $0x7FFFFFFF  }
0xc5: {  	_ =	shalt  }
tec
execute0_lowered:
.L_overlay_start_1:
0x0: {  	(tag) =	ssettag $0x1  }
0x1: {  	v2 =	vlaneseq.u32;
	v26 =	vimm.s32 $0xFFEDCBA9;
	v27 =	vimm.s32 $0x87654321  }
0x2: {  	vm0 =	vcmask $0x3F3C;
	v3 =	vor.u32 $0x2000, v2;
	v4 =	vor.u32 $0x2010, v2  }
0x3: {  	v5 =	vor.u32 $0x2020, v2;
	v6 =	vor.u32 $0x2030, v2;
	v7 =	vor.u32 $0x2040, v2  }
0x4: {  	v8 =	vor.u32 $0x2050, v2;
	v9 =	vor.u32 $0x2060, v2;
	v10 =	vor.u32 $0x2070, v2  }
0x5: {  	v11 =	vor.u32 $0x2080, v2;
	v12 =	vor.u32 $0x2090, v2;
	v13 =	vor.u32 $0x20A0, v2  }
0x6: {  	s1 =	srdreg.scid;
	s7 =	rddreg [dreg:$0x2];
	v14 =	vor.u32 $0x20B0, v2;
	v15 =	vor.u32 $0x20C0, v2;
	v16 =	vor.u32 $0x20D0, v2  }
0x7: {  	s0 =	stileid.u32;
	s3 =	rddreg [dreg:$0x3];
	v17 =	vor.u32 $0x20E0, v2;
	v18 =	vor.u32 $0x20F0, v2;
	v19 =	vor.u32 $0x2100, v2  }
0x8: {  	s4 =	simm.s32 $0x0;
	s5 =	sand.u32 $0x1, s1;
	s30 =	sshll.u32 s0, $0x1;
	v20 =	vor.u32 $0x2110, v2;
	v21 =	vor.u32 $0x2120, v2;
	v22 =	vor.u32 $0x2130, v2  }
0x9: {  	s9 =	simm.s32 $0x4200;
	s10 =	simm.s32 $0x0;
	v23 =	vor.u32 $0x2140, v2;
	v24 =	vor.u32 $0x2150, v2;
	v25 =	vor.u32 $0x2160, v2;
	s6 =	sor.u32 s5, s30  }
0xa: {  	v30 =	vunpack.c.l.s4.s8 v26;
	v31 =	vunpack.c.l.s4.s8 v27;
	v26 =	vor.u32 $0x2170, v2;
	s5 =	ssub.s32 $0x2, s5;
	s1 =	smul.u32 $0x1E0, s6;
	s6 =	sshll.u32 s6, $0x7  }
0xb: {  	[smem:$0x7FF] =	sst s4;
	v27 =	vor.u32 $0x2180, v2;
	v28 =	vor.u32 $0x2190, v2;
	v29 =	vor.u32 $0x21A0, v2;
	s8 =	sshrl.u32 s5, $0x1;
	s6 =	sadd.s32 s6, s7  }
0xc: {  	v32 =	vor.u32 $0x21D0, v2;
	v34 =	vunpack.c.0.s8.s32 v30;
	v35 =	vunpack.c.0.s8.s32 v31;
	s31 =	ssub.s32 s5, s8;
	s7 =	simm.s32 $0x1;
	s8 =	simm.s32 $0x4000  }
0xd: {  	v33 =	vor.u32 $0x80000000, v2;
	v30 =	vor.u32 $0x21B0, v2;
	s2 =	sadd.s32 $0x1E0, s1;
	v0 =	vmov s1;
	s1 =	rddreg [dreg:$0x0];
	s5 =	sadd.s32 $0x1800, s6  }
0xe: {  	v31 =	vor.u32 $0x21C0, v2;
	s6 =	smax.u32 s31, $0x1;
	v34 =	vcombine.low v35, v34;
	v1 =	vmov s2;
	s2 =	rddreg [dreg:$0x1];
	_ =	strace $0x80000047  }
.LBB2_1:
0xf: {  	[tilespmem:s4], [sflag:$0x1] =	stream.linear.gather [hbm4b:s1+s4], $0x2000, $0x38;
	[tilespmem:$0x4600] =	vst v63  }
0x10: {  	_ =	swait.ge [sflag:s7], $0x2000  }
0x11: {  	[sflag:s7] =	ssyncset.done $0x0  }
0x12: {  	s11 =	simm.s32 $0x2000;
	[sflag:s7] =	ssyncadd.s32 $0xFFFFE000  }
0x13: {  	[tilespmem:s11], [sflag:$0x1] =	stream.linear.gather [hbm4b:s2+s4], $0x2000, $0x38;
	[tilespmem:$0x4600] =	vst v63  }
0x14: {  	_ =	swait.ge [sflag:s7], $0x2000  }
0x15: {  	[sflag:s7] =	ssyncset.done $0x0  }
0x16: {  	[sflag:s7] =	ssyncadd.s32 $0xFFFFE000  }
0x17: {  	[tilespmem:$0x4000] =	vst v3  }
0x18: {  	[tilespmem:$0x4010] =	vst v4  }
0x19: {  	[tilespmem:$0x4020] =	vst v5  }
0x1a: {  	[tilespmem:$0x4030] =	vst v6  }
0x1b: {  	[tilespmem:$0x4040] =	vst v7  }
0x1c: {  	[tilespmem:$0x4050] =	vst v8  }
0x1d: {  	[tilespmem:$0x4060] =	vst v9  }
0x1e: {  	[tilespmem:$0x4070] =	vst v10  }
0x1f: {  	[tilespmem:$0x4080] =	vst v11  }
0x20: {  	[tilespmem:$0x4090] =	vst v12  }
0x21: {  	[tilespmem:$0x40A0] =	vst v13  }
0x22: {  	[tilespmem:$0x40B0] =	vst v14  }
0x23: {  	[tilespmem:$0x40C0] =	vst v15  }
0x24: {  	[tilespmem:$0x40D0] =	vst v16  }
0x25: {  	[tilespmem:$0x40E0] =	vst v17  }
0x26: {  	[tilespmem:$0x40F0] =	vst v18  }
0x27: {  	[tilespmem:$0x4100] =	vst v19  }
0x28: {  	[tilespmem:$0x4110] =	vst v20  }
0x29: {  	[tilespmem:$0x4120] =	vst v21  }
0x2a: {  	[tilespmem:$0x4130] =	vst v22  }
0x2b: {  	[tilespmem:$0x4140] =	vst v23  }
0x2c: {  	[tilespmem:$0x4150] =	vst v24  }
0x2d: {  	[tilespmem:$0x4160] =	vst v25  }
0x2e: {  	[tilespmem:$0x4170] =	vst v26  }
0x2f: {  	[tilespmem:$0x4180] =	vst v27  }
0x30: {  	[tilespmem:$0x4190] =	vst v28  }
0x31: {  	[tilespmem:$0x41A0] =	vst v29  }
0x32: {  	[tilespmem:$0x41B0] =	vst v30  }
0x33: {  	[tilespmem:$0x41C0] =	vst v31  }
0x34: {  	[tilespmem:$0x41D0] =	vst v32  }
0x35: {  	v35 =	vld [tilespmem:s4+$0x0]  }
0x36: {  	s13 =	simm.s32 $0x10;
	s12 =	simm.s32 $0x0;
	s14 =	simm.s32 $0x0;
	v36 =	vld [tilespmem:s11+$0x0]  }
.LBB2_2:
0x37: {  	p0 =	sne.s32 s13, $0x1FF0;
	_ =	sdelay $0x3  }
0x38: {  	v35 =	vshll.u32 v35, $0x4;
	v36 =	vshll.u32 v36, $0xD  }
0x39: {  	v35 =	vadd.s32 v35, v36  }
0x3a: {  	v36 =	vor.u32 s12, v2;
	s12 =	smov.u32 s13;
	v35 =	vxor.u32 v33, v35  }
0x3b: {  	(xrf1) =	vsort.ascd.msk.u32 $0xffff, v35, v36;
	_ =	sdelay $0xd  }
0x3c: {  	v35, v36, _ =	vpop (xrf1)  }
0x3d: {  	v35 =	vshrl.u32 v35, $0x4  }
0x3e: {  	v35 =	vxor.u32 $0x8000000, v35  }
0x3f: {  	v37 =	vperm.xlane v35, v34  }
0x40: {  	vm1 =	vge.u32 v35, v0  }
0x41: {  	vm3 =	vlt.u32 v35, v1;
	vm2 =	vne.s32 v35, v37;
	v35 =	vsub.s32 v35, v0  }
0x42: {  	vm1 =	vmand vm1, vm3;
	vm2 =	vmor vm2, vm0;
	vm3 =	vgt.s32 v35, $0x0  }
0x43: {  	vm1 =	vmand vm2, vm1;
	v35 =	vnsel vm3, $0x0, v35  }
0x44: {  	v35 =	vmin.u32 v35, $0x1DF;
	_ =	sdelay $0x2  }
.Ltmp0:
0x45: {  	(pc) =	sbr.rel @p0 .LBB2_2-.Ltmp0, $4  }
0x46: {  	_ = 	snop  }
0x47: {  	s14 =	sadd.s32 $0x10, s14;
	[tilespmem:v35+s8+$0x0] =	vst.idx.msk vm1, v36  }
0x48: {  	s11 =	sadd.s32 $0x10, s11;
	v35 =	vld [tilespmem:s14+$0x0]  }
0x49: {  	s13 =	sadd.s32 $0x10, s13;
	v36 =	vld [tilespmem:s11+$0x0]  }
0x4a: {  	_ =	sdelay $0x3  }
0x4b: {  	v35 =	vshll.u32 v35, $0x4;
	v36 =	vshll.u32 v36, $0xD  }
0x4c: {  	v35 =	vadd.s32 v35, v36  }
0x4d: {  	v59 =	vor.u32 s12, v2;
	v35 =	vxor.u32 v33, v35  }
0x4e: {  	(xrf1) =	vsort.ascd.msk.u32 $0xffff, v35, v59;
	_ =	sdelay $0xd  }
0x4f: {  	v35, v36, _ =	vpop (xrf1)  }
0x50: {  	v35 =	vshrl.u32 v35, $0x4  }
0x51: {  	v35 =	vxor.u32 $0x8000000, v35  }
0x52: {  	v37 =	vperm.xlane v35, v34  }
0x53: {  	vm1 =	vge.u32 v35, v0  }
0x54: {  	vm3 =	vlt.u32 v35, v1;
	vm2 =	vne.s32 v35, v37;
	v35 =	vsub.s32 v35, v0  }
0x55: {  	vm1 =	vmand vm1, vm3;
	vm2 =	vmor vm2, vm0;
	vm3 =	vgt.s32 v35, $0x0  }
0x56: {  	vm1 =	vmand vm2, vm1;
	v35 =	vnsel vm3, $0x0, v35  }
0x57: {  	v35 =	vmin.u32 v35, $0x1DF;
	_ =	sdelay $0x4  }
0x58: {  	[tilespmem:v35+s8+$0x0] =	vst.idx.msk vm1, v36  }
0x59: {  	v35 =	vld [tilespmem:$0x4000]  }
0x5a: {  	v36 =	vld [tilespmem:$0x4010]  }
0x5b: {  	v60 =	vld [tilespmem:$0x4020]  }
0x5c: {  	v38 =	vld [tilespmem:$0x4030]  }
0x5d: {  	v39 =	vld [tilespmem:$0x4040]  }
0x5e: {  	v61 =	vld [tilespmem:$0x4050];
	[tilespmem:$0x4200] =	vst v35  }
0x5f: {  	v62 =	vld [tilespmem:$0x4060];
	[tilespmem:$0x4210] =	vst v36  }
0x60: {  	v63 =	vld [tilespmem:$0x4070];
	[tilespmem:$0x4220] =	vst v60  }
0x61: {  	v42 =	vld [tilespmem:$0x4080];
	[tilespmem:$0x4230] =	vst v38  }
0x62: {  	v43 =	vld [tilespmem:$0x4090];
	[tilespmem:$0x4240] =	vst v39  }
0x63: {  	v44 =	vld [tilespmem:$0x40A0];
	[tilespmem:$0x4250] =	vst v61  }
0x64: {  	v45 =	vld [tilespmem:$0x40B0];
	[tilespmem:$0x4280] =	vst v62  }
0x65: {  	v46 =	vld [tilespmem:$0x40C0];
	[tilespmem:$0x4290] =	vst v63  }
0x66: {  	v47 =	vld [tilespmem:$0x40D0];
	[tilespmem:$0x42A0] =	vst v42  }
0x67: {  	v48 =	vld [tilespmem:$0x40E0];
	[tilespmem:$0x42B0] =	vst v43  }
0x68: {  	v49 =	vld [tilespmem:$0x40F0];
	[tilespmem:$0x42C0] =	vst v44  }
0x69: {  	v50 =	vld [tilespmem:$0x4100];
	[tilespmem:$0x42D0] =	vst v45  }
0x6a: {  	v51 =	vld [tilespmem:$0x4110];
	[tilespmem:$0x4300] =	vst v46  }
0x6b: {  	v52 =	vld [tilespmem:$0x4120];
	[tilespmem:$0x4310] =	vst v47  }
0x6c: {  	v53 =	vld [tilespmem:$0x4130];
	[tilespmem:$0x4320] =	vst v48  }
0x6d: {  	v54 =	vld [tilespmem:$0x4140];
	[tilespmem:$0x4330] =	vst v49  }
0x6e: {  	v55 =	vld [tilespmem:$0x4150];
	[tilespmem:$0x4340] =	vst v50  }
0x6f: {  	v56 =	vld [tilespmem:$0x4160];
	[tilespmem:$0x4350] =	vst v51  }
0x70: {  	v57 =	vld [tilespmem:$0x4170];
	[tilespmem:$0x4380] =	vst v52  }
0x71: {  	v58 =	vld [tilespmem:$0x4180];
	[tilespmem:$0x4390] =	vst v53  }
0x72: {  	v59 =	vld [tilespmem:$0x4190];
	[tilespmem:$0x43A0] =	vst v54  }
0x73: {  	[tilespmem:$0x43B0] =	vst v55;
	v60 =	vld [tilespmem:$0x41A0]  }
0x74: {  	[tilespmem:$0x43C0] =	vst v56;
	v61 =	vld [tilespmem:$0x41B0]  }
0x75: {  	[tilespmem:$0x43D0] =	vst v57;
	v62 =	vld [tilespmem:$0x41C0]  }
0x76: {  	[tilespmem:$0x4400] =	vst v58;
	v63 =	vld [tilespmem:$0x41D0]  }
0x77: {  	[tilespmem:$0x4410] =	vst v59  }
0x78: {  	[tilespmem:$0x4420] =	vst v60  }
0x79: {  	s10 =	sadd.s32 $0x1, s10;
	[tilespmem:$0x4430] =	vst v61  }
0x7a: {  	p0 =	sne.s32 s10, s6;
	[tilespmem:$0x4440] =	vst v62  }
.Ltmp1:
0x7b: {  	[tilespmem:$0x4450] =	vst v63;
	(pc) =	sbr.rel @p0 .LBB2_1-.Ltmp1, $4  }
0x7c: {  	[hbm4b:s5+s4] =	stream.linear.scatter [tilespmem:s9], [sflag:$0x1], $0x280, $0x38;
	[tilespmem:$0x4600] =	vst v63  }
0x7d: {  	_ =	swait.ge [sflag:s7], $0x280  }
0x7e: {  	[sflag:s7] =	ssyncset.done $0x0  }
0x7f: {  	[sflag:s7] =	ssyncadd.s32 $0xFFFFFD80  }
0x80: {  	_ =	sfence.sel $0x180000  }
0x81: {  	[bflag:$0x0] =	sbarrier.arrive $0xFFFF  }
0x82: {  	p0 =	sne.s32 s0, $0x0;
	_ =	strace $0x90000047  }
0x83: {  	s0 =	sadd.s32 @!p0 $0x100000, s3;
	[bflag:$0x2] =	sbarrier.arrive $0xFFFF  }
0x84: {  	[sflag:s0] =	ssyncadd.tile.s32 @!p0 $0x1;
	_ =	shalt  }
.Lfunc_end2:
_tile_overlayer_lowered:
.L_overlay_start_2:
0x85: {  	(tag) =	ssettag $0x2  }
0x86: {  	s0 =	rddreg [dreg:$0x0];
	s2 =	stileid.u32  }
0x87: {  	s1 =	rddreg [dreg:$0x1];
	p0 =	sne.s32 s2, $0x0  }
0x88: {  	s3 =	rddreg [dreg:$0x2];
	[bflag:$0x3] =	sbarrier.arrive $0xFFFF;
	s2 =	simm.s32 @!p0 $0x1C01  }
0x89: {  	[timem:s3], [sflag:s2] =	dma.local @!p0 [hbm:s0], s1  }
0x8a: {  	s0 =	simm.s32 @!p0 $0x1  }
0x8b: {  	_ =	swait.ge @!p0 [sflag:s0], s1  }
0x8c: {  	s1 =	ssub.s32 @!p0 $0x0, s1;
	[sflag:s0] =	ssyncset.done @!p0 $0x0  }
0x8d: {  	[sflag:s0] =	ssyncadd.s32 @!p0 s1  }
0x8e: {  	[bflag:$0x3] =	sbarrier.arrive $0xFFFF  }
0x8f: {  	_ =	shalt  }

// kernel: kernel.8.cloned.1.call-start
scs
__scs_entry_jumppad:
0x0: {  	(pc) =	sbr.rel $0x88, $3  }
0x1: {  	(tag) =	ssettag $0x0;
	lr =	simm.s32 $0x1  }
0x2: {  	[smem:$0x3F98] =	sst lr;
	_ =	strace $0xD0000000  }
0x3: {  	_ = 	snop  }
0x4: {  	_ = 	snop  }
0x5: {  	_ = 	snop  }
0x6: {  	_ = 	snop  }
0x7: {  	_ = 	snop  }
__scs_overlays_trampoline_lowered:
0x8: {  	[smem:$0x3FA7] =	sst s0  }
0x9: {  	[smem:$0x3FA8] =	sst s1  }
0xa: {  	[smem:$0x3FA9] =	sst s2  }
0xb: {  	[smem:$0x3FAA] =	sst s3  }
0xc: {  	[smem:$0x3FAB] =	sst s4  }
0xd: {  	[smem:$0x3FAC] =	sst s5  }
0xe: {  	[smem:$0x3FAD] =	sst s6  }
0xf: {  	[smem:$0x3FAE] =	sst s7  }
0x10: {  	[smem:$0x3FAF] =	sst s8  }
0x11: {  	[smem:$0x3FB0] =	sst s9;
	s0 =	simm.s32 @!p0 $0x0  }
0x12: {  	s1 =	sld [smem:$0x3F96];
	s0 =	simm.s32 @p0 $0x1  }
0x13: {  	[smem:$0x3FB1] =	sst s0;
	s0 =	simm.s32 @!p1 $0x0  }
0x14: {  	s2 =	sld [smem:$0x3F95];
	s0 =	simm.s32 @p1 $0x1  }
0x15: {  	[smem:$0x3FB2] =	sst s0;
	s0 =	simm.s32 @!p2 $0x0  }
0x16: {  	s3 =	sld [smem:$0x3FDB];
	s0 =	simm.s32 @p2 $0x1  }
0x17: {  	s4 =	simm.s32 $0x1BF5;
	[smem:$0x3FB4] =	sst s0  }
0x18: {  	s0 =	sld [smem:$0x3F97];
	_ =	swait.ge [sflag:s4], $0x0  }
0x19: {  	s7 =	sld [smem:$0x3F98]  }
0x1a: {  	s8 =	sadd.s32 $0xFFFFE003, lr  }
0x1b: {  	s9 =	sadd.s32 $0xFFFFFEF7, lr;
	s5 =	simm.s32 $0xFFFFFFFF;
	p2 =	slt.u32 s8, $0xFFFFF086  }
0x1c: {  	p1 =	slt.u32 s9, $0xF7A;
	s5 =	simm.s32 @!p2 $0x0  }
0x1d: {  	s5 =	simm.s32 @p1 $0x1;
	p0 =	seq.s32 s7, s2  }
0x1e: {  	s7 =	smul.u32 @!p0 $0xF7A, s2;
	p2 =	seq.s32 @!p0 s5, $0x0  }
0x1f: {  	s9 =	smul.u32 $0xF7A, s1;
	s8 =	simm.s32 @!p0 $0x1BF5;
	p2 =	por !p2, p0  }
0x20: {  	[sflag:s8] =	ssyncset.s32 @!p0 $0xFFFFF086;
	s6 =	sadd.s32 @!p0 s3, s7;
	s7 =	simm.s32 @!p0 $0x108  }
0x21: {  	s3 =	sadd.s32 s3, s9;
	s6 =	sadd.s32 @!p0 $0x88, s6;
	s7 =	simm.s32 @p2 $0x1082  }
0x22: {  	[simem:s7], [sflag:s8] =	dma.local @!p0 [hbm:s6], $0xF7A  }
0x23: {  	s9 =	sor.u32 $0xD0000000, s2;
	s6 =	simm.s32 $0x108;
	_ =	swait.ge @!p0 [sflag:s8], $0x0  }
0x24: {  	s3 =	sadd.s32 $0x88, s3;
	s6 =	simm.s32 @!p1 $0x1082;
	[sflag:s4] =	ssyncset.s32 $0xFFFFF086  }
0x25: {  	[simem:s6], [sflag:s4] =	dma.local [hbm:s3], $0xF7A  }
0x26: {  	[smem:$0x3F98] =	sst s1;
	(tag) =	ssettag s2;
	_ =	strace s9  }
0x27: {  	s1 =	sld [smem:$0x3FA8]  }
0x28: {  	s2 =	sld [smem:$0x3FA9]  }
0x29: {  	s4 =	sld [smem:$0x3FAB]  }
0x2a: {  	p0 =	seq.s32 s5, $0x0;
	s5 =	sld [smem:$0x3FAC]  }
0x2b: {  	s6 =	sld [smem:$0x3FAD]  }
0x2c: {  	s7 =	sld [smem:$0x3FAE]  }
0x2d: {  	s3 =	simm.s32 $0x108;
	s8 =	sld [smem:$0x3FAF]  }
0x2e: {  	s3 =	simm.s32 @!p0 $0x1082;
	s9 =	sld [smem:$0x3FB0]  }
0x2f: {  	lr =	sadd.s32 s0, s3;
	s0 =	sld [smem:$0x3FA7]  }
0x30: {  	s3 =	sld [smem:$0x3FAA]  }
0x31: {  	[smem:$0x3FB3] =	sst s10  }
0x32: {  	s10 =	sld [smem:$0x3FB1];
	_ =	sdelay $0x3  }
0x33: {  	p0 =	seq.s32 s10, $0x1;
	s10 =	sld [smem:$0x3FB3];
	_ =	sdelay $0x3  }
0x34: {  	[smem:$0x3FB3] =	sst s10  }
0x35: {  	s10 =	sld [smem:$0x3FB2];
	_ =	sdelay $0x3  }
0x36: {  	p1 =	seq.s32 s10, $0x1;
	s10 =	sld [smem:$0x3FB3];
	_ =	sdelay $0x3  }
0x37: {  	[smem:$0x3FB3] =	sst s10  }
0x38: {  	s10 =	sld [smem:$0x3FB4]  }
0x39: {  	_ = 	snop;
	(pc) =	sbr.ind lr, $3  }
0x3a: {  	_ = 	snop  }
0x3b: {  	_ = 	snop  }
0x3c: {  	p2 =	seq.s32 s10, $0x1;
	s10 =	sld [smem:$0x3FB3]  }
0x3d: {  	_ =	shalt  }
0x3e: {  	_ =	shalt  }
0x3f: {  	_ =	shalt  }
0x40: {  	_ =	shalt  }
0x41: {  	_ =	shalt  }
0x42: {  	_ =	shalt  }
0x43: {  	_ =	shalt  }
0x44: {  	_ =	shalt  }
0x45: {  	_ =	shalt  }
0x46: {  	_ =	shalt  }
0x47: {  	_ =	shalt  }
0x48: {  	_ =	shalt  }
0x49: {  	_ =	shalt  }
0x4a: {  	_ =	shalt  }
0x4b: {  	_ =	shalt  }
0x4c: {  	_ =	shalt  }
0x4d: {  	_ =	shalt  }
0x4e: {  	_ =	shalt  }
0x4f: {  	_ =	shalt  }
0x50: {  	_ =	shalt  }
0x51: {  	_ =	shalt  }
0x52: {  	_ =	shalt  }
0x53: {  	_ =	shalt  }
0x54: {  	_ =	shalt  }
0x55: {  	_ =	shalt  }
0x56: {  	_ =	shalt  }
0x57: {  	_ =	shalt  }
0x58: {  	_ =	shalt  }
0x59: {  	_ =	shalt  }
0x5a: {  	_ =	shalt  }
0x5b: {  	_ =	shalt  }
0x5c: {  	_ =	shalt  }
0x5d: {  	_ =	shalt  }
0x5e: {  	_ =	shalt  }
0x5f: {  	_ =	shalt  }
0x60: {  	_ =	shalt  }
0x61: {  	_ =	shalt  }
0x62: {  	_ =	shalt  }
0x63: {  	_ =	shalt  }
0x64: {  	_ =	shalt  }
0x65: {  	_ =	shalt  }
0x66: {  	_ =	shalt  }
0x67: {  	_ =	shalt  }
0x68: {  	_ =	shalt  }
0x69: {  	_ =	shalt  }
0x6a: {  	_ =	shalt  }
0x6b: {  	_ =	shalt  }
0x6c: {  	_ =	shalt  }
0x6d: {  	_ =	shalt  }
0x6e: {  	_ =	shalt  }
0x6f: {  	_ =	shalt  }
0x70: {  	_ =	shalt  }
0x71: {  	_ =	shalt  }
0x72: {  	_ =	shalt  }
0x73: {  	_ =	shalt  }
0x74: {  	_ =	shalt  }
0x75: {  	_ =	shalt  }
0x76: {  	_ =	shalt  }
0x77: {  	_ =	shalt  }
0x78: {  	_ =	shalt  }
0x79: {  	_ =	shalt  }
0x7a: {  	_ =	shalt  }
0x7b: {  	_ =	shalt  }
0x7c: {  	_ =	shalt  }
0x7d: {  	_ =	shalt  }
0x7e: {  	_ =	shalt  }
0x7f: {  	_ =	shalt  }
0x80: {  	_ =	shalt  }
0x81: {  	_ =	shalt  }
0x82: {  	_ =	shalt  }
0x83: {  	_ =	shalt  }
0x84: {  	_ =	shalt  }
0x85: {  	_ =	shalt  }
0x86: {  	_ =	shalt  }
0x87: {  	_ =	shalt  }
.Lfunc_end0:
.L_simem_size_0:
called_computation.1_lowered:
.L_overlay_start_0:
0x88: {  	s2 =	sld [smem:$0x3FD9]  }
0x89: {  	s3 =	sld [smem:$0x3FFE];
	_ =	sdelay $0x1  }
0x8a: {  	s1 =	srdreg.scid  }
0x8b: {  	s0 =	sand.u32 $0x1, s1  }
0x8c: {  	s17 =	sshll.u32 s0, $0xA;
	s2 =	sadd.s32 s3, s2  }
0x8d: {  	s2 =	sadd.s32 s2, s17  }
0x8e: {  	[smem:$0x3FBF] =	sst s2  }
0x8f: {  	_ = 	snop  }
0x90: {  	s2 =	sld [smem:$0x3FD0];
	(tm) =	ssettm $0x1  }
0x91: {  	s18 =	sld [smem:$0x3FFB];
	_ =	sdelay $0x3  }
0x92: {  	_ =	strace s18  }
0x93: {  	s3 =	sld [smem:$0x3FFC];
	_ =	sdelay $0x3  }
0x94: {  	_ =	strace s3  }
0x95: {  	s3 =	sld [smem:$0x3FFD];
	_ =	sdelay $0x3  }
0x96: {  	_ =	strace s3  }
0x97: {  	_ =	strace $0x8FFFFFFF  }
0x98: {  	s19 =	sld [smem:$0x3FDB];
	_ =	sdelay $0x1  }
0x99: {  	s4 =	simm.s32 $_scs_section_size  }
0x9a: {  	s5 =	simm.s32 $_size__tile_overlayer_lowered;
	s6 =	simm.s32 $_tile_overlayer_lowered  }
0x9b: {  	s22 =	simm.s32 $0x1BFF;
	s21 =	sshll.u32 s6, $0x1;
	s3 =	sadd.s32 s4, s19  }
0x9c: {  	s7 =	simm.s32 $0x0;
	s20 =	sshll.u32 s5, $0x1;
	s5 =	sadd.s32 s21, s3  }
0x9d: {  	[timem:s7], [sflag:s22] =	dma.local [hbm:s5], s20  }
0x9e: {  	_ =	swait.ge [sflag:s22], s20  }
0x9f: {  	s4 =	ssub.s32 $0x0, s20;
	[sflag:s22] =	ssyncset.done $0x0  }
0xa0: {  	[sflag:s22] =	ssyncadd.s32 s4;
	_ =	sdelay $0x1  }
0xa1: {  	s23 =	simm.s32 $0x1B8B  }
0xa2: {  	_ =	swait.ge [sflag:s23], $0x1  }
0xa3: {  	[sflag:s23] =	ssyncset.done $0x0  }
0xa4: {  	s25 =	simm.s32 $0x1B8E;
	s24 =	sld [smem:$0x3FFE];
	[sflag:s23] =	ssyncadd.s32 $0xFFFFFFFF  }
0xa5: {  	s26 =	simm.s32 $execute0_lowered;
	[smem:$0x3FD2] =	sst s25  }
0xa6: {  	s5 =	sshll.u32 s26, $0x1;
	_ =	strace $0x80000049;
	[dreg:$0x1] =	wrdreg $0xFFFFFFFF  }
0xa7: {  	s28 =	simm.s32 $_size_execute0_lowered;
	s3 =	sadd.s32 s3, s5;
	[dreg:$0x0] =	wrdreg $0x0  }
0xa8: {  	s5 =	sshll.u32 s28, $0x1;
	[dreg:$0x2] =	wrdreg s3  }
0xa9: {  	[dreg:$0x3] =	wrdreg s5  }
0xaa: {  	[dreg:$0x4] =	wrdreg $0xC0  }
0xab: {  	_ =	task [dreg:s7], $0x5FFFF  }
0xac: {  	[dreg:$0x1] =	wrdreg $0xFFFFFFFF  }
0xad: {  	[dreg:$0x0] =	wrdreg $0x60  }
0xae: {  	[dreg:$0x2] =	wrdreg s24  }
0xaf: {  	[dreg:$0x3] =	wrdreg s2  }
0xb0: {  	[dreg:$0x4] =	wrdreg $0x9  }
0xb1: {  	_ =	task.clear_ibuf [dreg:s7], $0x5FFFF;
	_ =	strace $0x90000049  }
0xb2: {  	s29 =	simm.s32 $0x9;
	_ =	strace $0x8000004B  }
0xb3: {  	_ =	swait.ge [sflag:s29], $0x1  }
0xb4: {  	[sflag:s29] =	ssyncadd.s32 $0xFFFFFFFF  }
0xb5: {  	_ =	strace $0x9000004B  }
0xb6: {  	_ =	sfence  }
0xb7: {  	s30 =	sld [smem:$0x0];
	_ =	sdelay $0x2  }
0xb8: {  	s31 =	sshll.u32 s1, $0xD;
	s1 =	sshrl.u32 s1, $0x2  }
0xb9: {  	s3 =	sand.u32 $0x4000, s31;
	s1 =	sadd.s32 s1, s30  }
0xba: {  	s0 =	sor.u32 s3, s0;
	s1 =	sshll.u32 s1, $0x11  }
0xbb: {  	s0 =	sor.u32 s1, s0  }
0xbc: {  	s0 =	sadd.s32 $0x8F2B, s0  }
0xbd: {  	[sflag:s0] =	ssyncadd.remote.s32 $0x1  }
0xbe: {  	_ =	sfence.sel $0xFFFF  }
0xbf: {  	[dreg:$0x0] =	wrdreg $0xFFFFFFFF;
	(pc) =	sbr.abs _section_cstart, $3  }
0xc0: {  	[dreg:$0x1] =	wrdreg $0xFFFFFFFF  }
0xc1: {  	_ =	task.clear_ibuf [dreg:s7], $0x2FFFF;
	_ =	strace $0x9FFFFFFF  }
0xc2: {  	(tm) =	ssettm $0x7FFFFFFF  }
0xc3: {  	_ =	shalt  }
tec
execute0_lowered:
.L_overlay_start_1:
0x0: {  	(tag) =	ssettag $0x1  }
0x1: {  	s1 =	rddreg [dreg:$0x0];
	s2 =	srdreg.scid  }
0x2: {  	s3 =	rddreg [dreg:$0x1];
	s4 =	sand.u32 $0x1, s2;
	s2 =	simm.s32 $0x0  }
0x3: {  	s8 =	simm.s32 $0x2400;
	[smem:$0x7FF] =	sst s2  }
0x4: {  	s9 =	simm.s32 $0x2C00;
	_ =	strace $0x8000004A;
	[dreg:$0xc] =	wrdreg s8  }
0x5: {  	s10 =	simm.s32 $0x3400;
	[dreg:$0xd] =	wrdreg s9  }
0x6: {  	s11 =	simm.s32 $0x3C00;
	[dreg:$0xe] =	wrdreg s10  }
0x7: {  	s12 =	simm.s32 $0x4400;
	[dreg:$0xf] =	wrdreg s11  }
0x8: {  	s13 =	simm.s32 $0x4C00;
	[dreg:$0x10] =	wrdreg s12  }
0x9: {  	s14 =	simm.s32 $0x5400;
	[dreg:$0x11] =	wrdreg s13  }
0xa: {  	s15 =	simm.s32 $0x5C00;
	[dreg:$0x12] =	wrdreg s14  }
0xb: {  	s16 =	simm.s32 $0x6C00;
	[dreg:$0x13] =	wrdreg s15  }
0xc: {  	s17 =	simm.s32 $0x7400;
	[dreg:$0x14] =	wrdreg s16  }
0xd: {  	s18 =	simm.s32 $0x7C00;
	[dreg:$0x15] =	wrdreg s17  }
0xe: {  	s19 =	simm.s32 $0x8400;
	[dreg:$0x16] =	wrdreg s18  }
0xf: {  	s20 =	simm.s32 $0x8C00;
	[dreg:$0x17] =	wrdreg s19  }
0x10: {  	s21 =	simm.s32 $0x9400;
	[dreg:$0x18] =	wrdreg s20  }
0x11: {  	s0 =	stileid.u32;
	s22 =	simm.s32 $0x9C00;
	[dreg:$0x19] =	wrdreg s21  }
0x12: {  	s23 =	simm.s32 $0xA400;
	s24 =	sshll.u32 s0, $0x1;
	[dreg:$0x1a] =	wrdreg s22  }
0x13: {  	s5 =	sor.u32 s4, s24;
	s24 =	simm.s32 $0xAC00;
	[dreg:$0x1b] =	wrdreg s23  }
0x14: {  	[dreg:$0x1c] =	wrdreg s24;
	s8 =	simm.s32 $0xEC00  }
0x15: {  	s9 =	simm.s32 $0xF400;
	[smem:$0x7EC] =	sst s8  }
0x16: {  	s10 =	simm.s32 $0xFC00;
	[smem:$0x7ED] =	sst s9  }
0x17: {  	s11 =	simm.s32 $0x10400;
	[smem:$0x7EE] =	sst s10  }
0x18: {  	s12 =	simm.s32 $0x10C00;
	[smem:$0x7EF] =	sst s11  }
0x19: {  	s13 =	simm.s32 $0x11400;
	[smem:$0x7F0] =	sst s12  }
0x1a: {  	s14 =	simm.s32 $0x11C00;
	[smem:$0x7F1] =	sst s13  }
0x1b: {  	s28 =	simm.s32 $0x6;
	s15 =	simm.s32 $0x12C00;
	[smem:$0x7F2] =	sst s14  }
0x1c: {  	s29 =	simm.s32 $0x7;
	s16 =	simm.s32 $0x13400;
	[smem:$0x7F3] =	sst s15  }
0x1d: {  	s30 =	simm.s32 $0x8;
	s17 =	simm.s32 $0x13C00;
	[smem:$0x7F4] =	sst s16  }
0x1e: {  	s31 =	simm.s32 $0x9;
	s18 =	simm.s32 $0x14400;
	[smem:$0x7F5] =	sst s17  }
0x1f: {  	s4 =	ssub.s32 $0x2, s4;
	s20 =	simm.s32 $0x14C00;
	[smem:$0x7F6] =	sst s18  }
0x20: {  	s6 =	sshll.u32 s5, $0x7;
	s21 =	simm.s32 $0x15400;
	[smem:$0x7F7] =	sst s20  }
0x21: {  	s7 =	smul.u32 $0x1E000, s5;
	s22 =	simm.s32 $0x15C00;
	[smem:$0x7F8] =	sst s21  }
0x22: {  	s5 =	smul.u32 $0x3C00, s5;
	s23 =	simm.s32 $0x16400;
	[smem:$0x7F9] =	sst s22  }
0x23: {  	s19 =	sshrl.u32 s4, $0x1;
	s24 =	simm.s32 $0x16C00;
	[smem:$0x7FA] =	sst s23  }
0x24: {  	s6 =	sadd.s32 s6, s1;
	s4 =	ssub.s32 s4, s19;
	[smem:$0x7FB] =	sst s24  }
0x25: {  	s8 =	simm.s32 $0xC400;
	s9 =	simm.s32 $0x12400;
	s10 =	simm.s32 $0x18400  }
0x26: {  	s12 =	simm.s32 $0x19400;
	s13 =	simm.s32 $0x19C00;
	s14 =	simm.s32 $0x1A400  }
0x27: {  	s15 =	simm.s32 $0x1AC00;
	s16 =	simm.s32 $0x1B400;
	s6 =	sadd.s32 $0x1800, s6  }
0x28: {  	s17 =	simm.s32 $0x1BC00;
	s5 =	sadd.s32 s3, s5;
	[dreg:$0x3] =	wrdreg s6  }
0x29: {  	s18 =	simm.s32 $0x1C400;
	[dreg:$0x4] =	wrdreg s5;
	s5 =	simm.s32 $0xC00  }
0x2a: {  	s7 =	sshrl.u32 s7, $0x3;
	s6 =	simm.s32 $0x1400;
	[dreg:$0x9] =	wrdreg s5  }
0x2b: {  	s3 =	sadd.s32 s3, s7;
	s7 =	simm.s32 $0x1C00;
	[dreg:$0xa] =	wrdreg s6  }
0x2c: {  	s19 =	simm.s32 $0x1CC00;
	s25 =	sadd.s32 $0xC00, s3;
	[dreg:$0xb] =	wrdreg s7  }
0x2d: {  	s20 =	simm.s32 $0x1D400;
	s26 =	sadd.s32 $0x1800, s3;
	[dreg:$0x5] =	wrdreg s25  }
0x2e: {  	s21 =	simm.s32 $0x1DC00;
	s0 =	sadd.s32 $0x2400, s3;
	[dreg:$0x6] =	wrdreg s26  }
0x2f: {  	s22 =	simm.s32 $0x1;
	s3 =	sadd.s32 $0x3000, s3;
	[dreg:$0x7] =	wrdreg s0  }
0x30: {  	s23 =	simm.s32 $0x2;
	s5 =	simm.s32 $0xD400;
	[dreg:$0x8] =	wrdreg s3  }
0x31: {  	s24 =	simm.s32 $0x3;
	s6 =	simm.s32 $0xDC00;
	[smem:$0x7E9] =	sst s5  }
0x32: {  	s4 =	smax.u32 s4, $0x1;
	s7 =	simm.s32 $0xE400;
	[smem:$0x7EA] =	sst s6  }
0x33: {  	s25 =	simm.s32 $0xB400;
	s26 =	simm.s32 $0xBC00;
	[smem:$0x7EB] =	sst s7  }
0x34: {  	s0 =	simm.s32 $0xCC00;
	s3 =	sadd.s32 $0x2800, s1;
	[dreg:$0x1d] =	wrdreg s25  }
0x35: {  	s5 =	simm.s32 $0xB;
	s6 =	simm.s32 $0x400;
	[dreg:$0x1e] =	wrdreg s26  }
0x36: {  	v2 =	vlaneseq.u32;
	s7 =	simm.s32 $0x6400;
	[dreg:$0x1f] =	wrdreg s0;
	s25 =	simm.s32 $0x17400  }
0x37: {  	vm0 =	vmmov $0xffff;
	v1 =	vshrl.u32 v2, $0x3;
	s1 =	simm.s32 $0xA;
	s26 =	simm.s32 $0x17C00;
	[smem:$0x7FC] =	sst s25  }
0x38: {  	v0 =	vand.u32 $0x7, v2;
	v2 =	vor.u32 $0x8, v2;
	v1 =	vmul.u32 $0x8, v1;
	[smem:$0x7FD] =	sst s26;
	s25 =	simm.s32 $0x4;
	s26 =	simm.s32 $0x5  }
.LBB2_1:
0x39: {  	s0 =	rddreg [dreg:$0x3]  }
0x3a: {  	[tilespmem:s2], [sflag:$0xB] =	stream.linear.gather [hbm4b:s0+s2], $0x280, $0x38;
	[tilespmem:$0x1E400] =	vst v63  }
0x3b: {  	_ =	swait.ge [sflag:s5], $0x280  }
0x3c: {  	[sflag:s5] =	ssyncset.done $0x0  }
0x3d: {  	[sflag:s5] =	ssyncadd.s32 $0xFFFFFD80  }
0x3e: {  	v3 =	vld [tilespmem:$0x0];
	_ =	sdelay $0x4  }
0x3f: {  	v4 =	vshll.u32 v3, $0x1  }
0x40: {  	v3 =	vand.u32 $0x7, v3;
	v4 =	vand.u32 $0xFFFFFFF0, v4  }
0x41: {  	v3 =	vor.u32 v3, v4  }
0x42: {  	v4 =	vperm.xlane v3, v0;
	_ =	sdelay $0x1  }
0x43: {  	v3 =	vperm.xlane v3, v2;
	v4 =	vadd.s32 v1, v4;
	_ =	sdelay $0x1  }
0x44: {  	v3 =	vadd.s32 v1, v3;
	_ =	sdelay $0x2  }
0x45: {  	[tilespmem:s6], [sflag:$0x1] =	stream.indirect_vreg.gather [hbm4b:s3+s2], $0x80, v4, vm0, $0xb8;
	[tilespmem:$0x1E400] =	vst v63  }
0x46: {  	s11 =	rddreg [dreg:$0x9]  }
0x47: {  	[tilespmem:s11], [sflag:$0x1] =	stream.indirect_vreg.gather [hbm4b:s3+s2], $0x80, v3, vm0, $0xb8;
	[tilespmem:$0x1E400] =	vst v63  }
0x48: {  	v3 =	vld [tilespmem:$0x10];
	_ =	sdelay $0x4  }
0x49: {  	v35 =	vshll.u32 v3, $0x1  }
0x4a: {  	v3 =	vand.u32 $0x7, v3;
	v4 =	vand.u32 $0xFFFFFFF0, v35  }
0x4b: {  	v3 =	vor.u32 v3, v4  }
0x4c: {  	v4 =	vperm.xlane v3, v0;
	_ =	sdelay $0x1  }
0x4d: {  	v3 =	vperm.xlane v3, v2;
	v4 =	vadd.s32 v1, v4;
	_ =	sdelay $0x1  }
0x4e: {  	v3 =	vadd.s32 v1, v3;
	_ =	sdelay $0x1  }
0x4f: {  	s0 =	rddreg [dreg:$0xa]  }
0x50: {  	[tilespmem:s0], [sflag:$0x1] =	stream.indirect_vreg.gather [hbm4b:s3+s2], $0x80, v4, vm0, $0xb8;
	[tilespmem:$0x1E400] =	vst v63  }
0x51: {  	s11 =	rddreg [dreg:$0xb]  }
0x52: {  	[tilespmem:s11], [sflag:$0x1] =	stream.indirect_vreg.gather [hbm4b:s3+s2], $0x80, v3, vm0, $0xb8;
	[tilespmem:$0x1E400] =	vst v63  }
0x53: {  	v3 =	vld [tilespmem:$0x20];
	_ =	sdelay $0x4  }
0x54: {  	v36 =	vshll.u32 v3, $0x1  }
0x55: {  	v3 =	vand.u32 $0x7, v3;
	v4 =	vand.u32 $0xFFFFFFF0, v36  }
0x56: {  	v3 =	vor.u32 v3, v4  }
0x57: {  	v4 =	vperm.xlane v3, v0;
	_ =	sdelay $0x1  }
0x58: {  	v3 =	vperm.xlane v3, v2;
	v4 =	vadd.s32 v1, v4;
	_ =	sdelay $0x1  }
0x59: {  	v3 =	vadd.s32 v1, v3;
	_ =	sdelay $0x1  }
0x5a: {  	s0 =	rddreg [dreg:$0xc]  }
0x5b: {  	[tilespmem:s0], [sflag:$0x1] =	stream.indirect_vreg.gather [hbm4b:s3+s2], $0x80, v4, vm0, $0xb8;
	[tilespmem:$0x1E400] =	vst v63  }
0x5c: {  	s11 =	rddreg [dreg:$0xd]  }
0x5d: {  	[tilespmem:s11], [sflag:$0x1] =	stream.indirect_vreg.gather [hbm4b:s3+s2], $0x80, v3, vm0, $0xb8;
	[tilespmem:$0x1E400] =	vst v63  }
0x5e: {  	v3 =	vld [tilespmem:$0x30];
	_ =	sdelay $0x4  }
0x5f: {  	v37 =	vshll.u32 v3, $0x1  }
0x60: {  	v3 =	vand.u32 $0x7, v3;
	v4 =	vand.u32 $0xFFFFFFF0, v37  }
0x61: {  	v3 =	vor.u32 v3, v4  }
0x62: {  	v4 =	vperm.xlane v3, v0;
	_ =	sdelay $0x1  }
0x63: {  	v3 =	vperm.xlane v3, v2;
	v4 =	vadd.s32 v1, v4;
	_ =	sdelay $0x1  }
0x64: {  	v3 =	vadd.s32 v1, v3;
	_ =	sdelay $0x1  }
0x65: {  	s0 =	rddreg [dreg:$0xe]  }
0x66: {  	[tilespmem:s0], [sflag:$0x1] =	stream.indirect_vreg.gather [hbm4b:s3+s2], $0x80, v4, vm0, $0xb8;
	[tilespmem:$0x1E400] =	vst v63  }
0x67: {  	s11 =	rddreg [dreg:$0xf]  }
0x68: {  	[tilespmem:s11], [sflag:$0x1] =	stream.indirect_vreg.gather [hbm4b:s3+s2], $0x80, v3, vm0, $0xb8;
	[tilespmem:$0x1E400] =	vst v63  }
0x69: {  	v3 =	vld [tilespmem:$0x40];
	_ =	sdelay $0x4  }
0x6a: {  	v38 =	vshll.u32 v3, $0x1  }
0x6b: {  	v3 =	vand.u32 $0x7, v3;
	v4 =	vand.u32 $0xFFFFFFF0, v38  }
0x6c: {  	v3 =	vor.u32 v3, v4  }
0x6d: {  	v4 =	vperm.xlane v3, v0;
	_ =	sdelay $0x1  }
0x6e: {  	v3 =	vperm.xlane v3, v2;
	v4 =	vadd.s32 v1, v4;
	_ =	sdelay $0x1  }
0x6f: {  	v3 =	vadd.s32 v1, v3;
	_ =	sdelay $0x1  }
0x70: {  	s0 =	rddreg [dreg:$0x10]  }
0x71: {  	[tilespmem:s0], [sflag:$0x1] =	stream.indirect_vreg.gather [hbm4b:s3+s2], $0x80, v4, vm0, $0xb8;
	[tilespmem:$0x1E400] =	vst v63  }
0x72: {  	s11 =	rddreg [dreg:$0x11]  }
0x73: {  	[tilespmem:s11], [sflag:$0x1] =	stream.indirect_vreg.gather [hbm4b:s3+s2], $0x80, v3, vm0, $0xb8;
	[tilespmem:$0x1E400] =	vst v63  }
0x74: {  	v3 =	vld [tilespmem:$0x50];
	_ =	sdelay $0x4  }
0x75: {  	v39 =	vshll.u32 v3, $0x1  }
0x76: {  	v3 =	vand.u32 $0x7, v3;
	v4 =	vand.u32 $0xFFFFFFF0, v39  }
0x77: {  	v3 =	vor.u32 v3, v4  }
0x78: {  	v4 =	vperm.xlane v3, v0;
	_ =	sdelay $0x1  }
0x79: {  	v3 =	vperm.xlane v3, v2;
	v4 =	vadd.s32 v1, v4;
	_ =	sdelay $0x1  }
0x7a: {  	v3 =	vadd.s32 v1, v3;
	_ =	sdelay $0x1  }
0x7b: {  	s0 =	rddreg [dreg:$0x12]  }
0x7c: {  	[tilespmem:s0], [sflag:$0x1] =	stream.indirect_vreg.gather [hbm4b:s3+s2], $0x80, v4, vm0, $0xb8;
	[tilespmem:$0x1E400] =	vst v63  }
0x7d: {  	s11 =	rddreg [dreg:$0x13]  }
0x7e: {  	[tilespmem:s11], [sflag:$0x1] =	stream.indirect_vreg.gather [hbm4b:s3+s2], $0x80, v3, vm0, $0xb8;
	[tilespmem:$0x1E400] =	vst v63  }
0x7f: {  	v3 =	vld [tilespmem:$0x80];
	_ =	sdelay $0x4  }
0x80: {  	v40 =	vshll.u32 v3, $0x1  }
0x81: {  	v3 =	vand.u32 $0x7, v3;
	v4 =	vand.u32 $0xFFFFFFF0, v40  }
0x82: {  	v3 =	vor.u32 v3, v4  }
0x83: {  	v4 =	vperm.xlane v3, v0;
	_ =	sdelay $0x1  }
0x84: {  	v3 =	vperm.xlane v3, v2;
	v4 =	vadd.s32 v1, v4;
	_ =	sdelay $0x1  }
0x85: {  	v3 =	vadd.s32 v1, v3;
	_ =	sdelay $0x2  }
0x86: {  	[tilespmem:s7], [sflag:$0x2] =	stream.indirect_vreg.gather [hbm4b:s3+s2], $0x80, v4, vm0, $0xb8;
	[tilespmem:$0x1E400] =	vst v63  }
0x87: {  	s11 =	rddreg [dreg:$0x14]  }
0x88: {  	[tilespmem:s11], [sflag:$0x2] =	stream.indirect_vreg.gather [hbm4b:s3+s2], $0x80, v3, vm0, $0xb8;
	[tilespmem:$0x1E400] =	vst v63  }
0x89: {  	v3 =	vld [tilespmem:$0x90];
	_ =	sdelay $0x4  }
0x8a: {  	v41 =	vshll.u32 v3, $0x1  }
0x8b: {  	v3 =	vand.u32 $0x7, v3;
	v4 =	vand.u32 $0xFFFFFFF0, v41  }
0x8c: {  	v3 =	vor.u32 v3, v4  }
0x8d: {  	v4 =	vperm.xlane v3, v0;
	_ =	sdelay $0x1  }
0x8e: {  	v3 =	vperm.xlane v3, v2;
	v4 =	vadd.s32 v1, v4;
	_ =	sdelay $0x1  }
0x8f: {  	v3 =	vadd.s32 v1, v3;
	_ =	sdelay $0x1  }
0x90: {  	s0 =	rddreg [dreg:$0x15]  }
0x91: {  	[tilespmem:s0], [sflag:$0x2] =	stream.indirect_vreg.gather [hbm4b:s3+s2], $0x80, v4, vm0, $0xb8;
	[tilespmem:$0x1E400] =	vst v63  }
0x92: {  	s11 =	rddreg [dreg:$0x16]  }
0x93: {  	[tilespmem:s11], [sflag:$0x2] =	stream.indirect_vreg.gather [hbm4b:s3+s2], $0x80, v3, vm0, $0xb8;
	[tilespmem:$0x1E400] =	vst v63  }
0x94: {  	v3 =	vld [tilespmem:$0xA0];
	_ =	sdelay $0x4  }
0x95: {  	v42 =	vshll.u32 v3, $0x1  }
0x96: {  	v3 =	vand.u32 $0x7, v3;
	v4 =	vand.u32 $0xFFFFFFF0, v42  }
0x97: {  	v3 =	vor.u32 v3, v4  }
0x98: {  	v4 =	vperm.xlane v3, v0;
	_ =	sdelay $0x1  }
0x99: {  	v3 =	vperm.xlane v3, v2;
	v4 =	vadd.s32 v1, v4;
	_ =	sdelay $0x1  }
0x9a: {  	v3 =	vadd.s32 v1, v3;
	_ =	sdelay $0x1  }
0x9b: {  	s0 =	rddreg [dreg:$0x17]  }
0x9c: {  	[tilespmem:s0], [sflag:$0x2] =	stream.indirect_vreg.gather [hbm4b:s3+s2], $0x80, v4, vm0, $0xb8;
	[tilespmem:$0x1E400] =	vst v63  }
0x9d: {  	s11 =	rddreg [dreg:$0x18]  }
0x9e: {  	[tilespmem:s11], [sflag:$0x2] =	stream.indirect_vreg.gather [hbm4b:s3+s2], $0x80, v3, vm0, $0xb8;
	[tilespmem:$0x1E400] =	vst v63  }
0x9f: {  	v3 =	vld [tilespmem:$0xB0];
	_ =	sdelay $0x4  }
0xa0: {  	v43 =	vshll.u32 v3, $0x1  }
0xa1: {  	v3 =	vand.u32 $0x7, v3;
	v4 =	vand.u32 $0xFFFFFFF0, v43  }
0xa2: {  	v3 =	vor.u32 v3, v4  }
0xa3: {  	v4 =	vperm.xlane v3, v0;
	_ =	sdelay $0x1  }
0xa4: {  	v3 =	vperm.xlane v3, v2;
	v4 =	vadd.s32 v1, v4;
	_ =	sdelay $0x1  }
0xa5: {  	v3 =	vadd.s32 v1, v3;
	_ =	sdelay $0x1  }
0xa6: {  	s0 =	rddreg [dreg:$0x19]  }
0xa7: {  	[tilespmem:s0], [sflag:$0x2] =	stream.indirect_vreg.gather [hbm4b:s3+s2], $0x80, v4, vm0, $0xb8;
	[tilespmem:$0x1E400] =	vst v63  }
0xa8: {  	s11 =	rddreg [dreg:$0x1a]  }
0xa9: {  	[tilespmem:s11], [sflag:$0x2] =	stream.indirect_vreg.gather [hbm4b:s3+s2], $0x80, v3, vm0, $0xb8;
	[tilespmem:$0x1E400] =	vst v63  }
0xaa: {  	v3 =	vld [tilespmem:$0xC0];
	_ =	sdelay $0x4  }
0xab: {  	v44 =	vshll.u32 v3, $0x1  }
0xac: {  	v3 =	vand.u32 $0x7, v3;
	v4 =	vand.u32 $0xFFFFFFF0, v44  }
0xad: {  	v3 =	vor.u32 v3, v4  }
0xae: {  	v4 =	vperm.xlane v3, v0;
	_ =	sdelay $0x1  }
0xaf: {  	v3 =	vperm.xlane v3, v2;
	v4 =	vadd.s32 v1, v4;
	_ =	sdelay $0x1  }
0xb0: {  	v3 =	vadd.s32 v1, v3;
	_ =	sdelay $0x1  }
0xb1: {  	s0 =	rddreg [dreg:$0x1b]  }
0xb2: {  	[tilespmem:s0], [sflag:$0x2] =	stream.indirect_vreg.gather [hbm4b:s3+s2], $0x80, v4, vm0, $0xb8;
	[tilespmem:$0x1E400] =	vst v63  }
0xb3: {  	s11 =	rddreg [dreg:$0x1c]  }
0xb4: {  	[tilespmem:s11], [sflag:$0x2] =	stream.indirect_vreg.gather [hbm4b:s3+s2], $0x80, v3, vm0, $0xb8;
	[tilespmem:$0x1E400] =	vst v63  }
0xb5: {  	v3 =	vld [tilespmem:$0xD0];
	_ =	sdelay $0x4  }
0xb6: {  	v45 =	vshll.u32 v3, $0x1  }
0xb7: {  	v3 =	vand.u32 $0x7, v3;
	v4 =	vand.u32 $0xFFFFFFF0, v45  }
0xb8: {  	v3 =	vor.u32 v3, v4  }
0xb9: {  	v4 =	vperm.xlane v3, v0;
	_ =	sdelay $0x1  }
0xba: {  	v3 =	vperm.xlane v3, v2;
	v4 =	vadd.s32 v1, v4;
	_ =	sdelay $0x1  }
0xbb: {  	v3 =	vadd.s32 v1, v3;
	_ =	sdelay $0x1  }
0xbc: {  	s0 =	rddreg [dreg:$0x1d]  }
0xbd: {  	[tilespmem:s0], [sflag:$0x2] =	stream.indirect_vreg.gather [hbm4b:s3+s2], $0x80, v4, vm0, $0xb8;
	[tilespmem:$0x1E400] =	vst v63  }
0xbe: {  	s11 =	rddreg [dreg:$0x1e]  }
0xbf: {  	[tilespmem:s11], [sflag:$0x2] =	stream.indirect_vreg.gather [hbm4b:s3+s2], $0x80, v3, vm0, $0xb8;
	[tilespmem:$0x1E400] =	vst v63  }
0xc0: {  	v3 =	vld [tilespmem:$0x100];
	_ =	sdelay $0x4  }
0xc1: {  	v46 =	vshll.u32 v3, $0x1  }
0xc2: {  	v3 =	vand.u32 $0x7, v3;
	v4 =	vand.u32 $0xFFFFFFF0, v46  }
0xc3: {  	v3 =	vor.u32 v3, v4  }
0xc4: {  	v4 =	vperm.xlane v3, v0;
	_ =	sdelay $0x1  }
0xc5: {  	v3 =	vperm.xlane v3, v2;
	v4 =	vadd.s32 v1, v4;
	_ =	sdelay $0x1  }
0xc6: {  	v3 =	vadd.s32 v1, v3;
	_ =	sdelay $0x2  }
0xc7: {  	[tilespmem:s8], [sflag:$0x3] =	stream.indirect_vreg.gather [hbm4b:s3+s2], $0x80, v4, vm0, $0xb8;
	[tilespmem:$0x1E400] =	vst v63  }
0xc8: {  	s11 =	rddreg [dreg:$0x1f]  }
0xc9: {  	[tilespmem:s11], [sflag:$0x3] =	stream.indirect_vreg.gather [hbm4b:s3+s2], $0x80, v3, vm0, $0xb8;
	[tilespmem:$0x1E400] =	vst v63  }
0xca: {  	v3 =	vld [tilespmem:$0x110];
	_ =	sdelay $0x4  }
0xcb: {  	v47 =	vshll.u32 v3, $0x1  }
0xcc: {  	v3 =	vand.u32 $0x7, v3;
	v4 =	vand.u32 $0xFFFFFFF0, v47  }
0xcd: {  	v3 =	vor.u32 v3, v4  }
0xce: {  	v4 =	vperm.xlane v3, v0;
	_ =	sdelay $0x1  }
0xcf: {  	v3 =	vperm.xlane v3, v2;
	v4 =	vadd.s32 v1, v4;
	_ =	sdelay $0x1  }
0xd0: {  	s0 =	sld [smem:$0x7E9];
	v3 =	vadd.s32 v1, v3;
	_ =	sdelay $0x1  }
0xd1: {  	s11 =	sld [smem:$0x7EA]  }
0xd2: {  	[tilespmem:s0], [sflag:$0x3] =	stream.indirect_vreg.gather [hbm4b:s3+s2], $0x80, v4, vm0, $0xb8;
	[tilespmem:$0x1E400] =	vst v63  }
0xd3: {  	_ = 	snop  }
0xd4: {  	[tilespmem:s11], [sflag:$0x3] =	stream.indirect_vreg.gather [hbm4b:s3+s2], $0x80, v3, vm0, $0xb8;
	[tilespmem:$0x1E400] =	vst v63  }
0xd5: {  	v3 =	vld [tilespmem:$0x120];
	_ =	sdelay $0x4  }
0xd6: {  	v48 =	vshll.u32 v3, $0x1  }
0xd7: {  	v3 =	vand.u32 $0x7, v3;
	v4 =	vand.u32 $0xFFFFFFF0, v48  }
0xd8: {  	v3 =	vor.u32 v3, v4  }
0xd9: {  	v4 =	vperm.xlane v3, v0;
	_ =	sdelay $0x1  }
0xda: {  	v3 =	vperm.xlane v3, v2;
	v4 =	vadd.s32 v1, v4;
	_ =	sdelay $0x1  }
0xdb: {  	s0 =	sld [smem:$0x7EB];
	v3 =	vadd.s32 v1, v3;
	_ =	sdelay $0x1  }
0xdc: {  	s11 =	sld [smem:$0x7EC]  }
0xdd: {  	[tilespmem:s0], [sflag:$0x3] =	stream.indirect_vreg.gather [hbm4b:s3+s2], $0x80, v4, vm0, $0xb8;
	[tilespmem:$0x1E400] =	vst v63  }
0xde: {  	_ = 	snop  }
0xdf: {  	[tilespmem:s11], [sflag:$0x3] =	stream.indirect_vreg.gather [hbm4b:s3+s2], $0x80, v3, vm0, $0xb8;
	[tilespmem:$0x1E400] =	vst v63  }
0xe0: {  	v3 =	vld [tilespmem:$0x130];
	_ =	sdelay $0x4  }
0xe1: {  	v49 =	vshll.u32 v3, $0x1  }
0xe2: {  	v3 =	vand.u32 $0x7, v3;
	v4 =	vand.u32 $0xFFFFFFF0, v49  }
0xe3: {  	v3 =	vor.u32 v3, v4  }
0xe4: {  	v4 =	vperm.xlane v3, v0;
	_ =	sdelay $0x1  }
0xe5: {  	v3 =	vperm.xlane v3, v2;
	v4 =	vadd.s32 v1, v4;
	_ =	sdelay $0x1  }
0xe6: {  	s0 =	sld [smem:$0x7ED];
	v3 =	vadd.s32 v1, v3;
	_ =	sdelay $0x1  }
0xe7: {  	s11 =	sld [smem:$0x7EE]  }
0xe8: {  	[tilespmem:s0], [sflag:$0x3] =	stream.indirect_vreg.gather [hbm4b:s3+s2], $0x80, v4, vm0, $0xb8;
	[tilespmem:$0x1E400] =	vst v63  }
0xe9: {  	_ = 	snop  }
0xea: {  	[tilespmem:s11], [sflag:$0x3] =	stream.indirect_vreg.gather [hbm4b:s3+s2], $0x80, v3, vm0, $0xb8;
	[tilespmem:$0x1E400] =	vst v63  }
0xeb: {  	v3 =	vld [tilespmem:$0x140];
	_ =	sdelay $0x4  }
0xec: {  	v50 =	vshll.u32 v3, $0x1  }
0xed: {  	v3 =	vand.u32 $0x7, v3;
	v4 =	vand.u32 $0xFFFFFFF0, v50  }
0xee: {  	v3 =	vor.u32 v3, v4  }
0xef: {  	v4 =	vperm.xlane v3, v0;
	_ =	sdelay $0x1  }
0xf0: {  	v3 =	vperm.xlane v3, v2;
	v4 =	vadd.s32 v1, v4;
	_ =	sdelay $0x1  }
0xf1: {  	s0 =	sld [smem:$0x7EF];
	v3 =	vadd.s32 v1, v3;
	_ =	sdelay $0x1  }
0xf2: {  	s11 =	sld [smem:$0x7F0]  }
0xf3: {  	[tilespmem:s0], [sflag:$0x3] =	stream.indirect_vreg.gather [hbm4b:s3+s2], $0x80, v4, vm0, $0xb8;
	[tilespmem:$0x1E400] =	vst v63  }
0xf4: {  	_ = 	snop  }
0xf5: {  	[tilespmem:s11], [sflag:$0x3] =	stream.indirect_vreg.gather [hbm4b:s3+s2], $0x80, v3, vm0, $0xb8;
	[tilespmem:$0x1E400] =	vst v63  }
0xf6: {  	v3 =	vld [tilespmem:$0x150];
	_ =	sdelay $0x4  }
0xf7: {  	v51 =	vshll.u32 v3, $0x1  }
0xf8: {  	v3 =	vand.u32 $0x7, v3;
	v4 =	vand.u32 $0xFFFFFFF0, v51  }
0xf9: {  	v3 =	vor.u32 v3, v4  }
0xfa: {  	v4 =	vperm.xlane v3, v0;
	_ =	sdelay $0x1  }
0xfb: {  	v3 =	vperm.xlane v3, v2;
	v4 =	vadd.s32 v1, v4;
	_ =	sdelay $0x1  }
0xfc: {  	s0 =	sld [smem:$0x7F1];
	v3 =	vadd.s32 v1, v3;
	_ =	sdelay $0x1  }
0xfd: {  	s11 =	sld [smem:$0x7F2]  }
0xfe: {  	[tilespmem:s0], [sflag:$0x3] =	stream.indirect_vreg.gather [hbm4b:s3+s2], $0x80, v4, vm0, $0xb8;
	[tilespmem:$0x1E400] =	vst v63  }
0xff: {  	_ = 	snop  }
0x100: {  	[tilespmem:s11], [sflag:$0x3] =	stream.indirect_vreg.gather [hbm4b:s3+s2], $0x80, v3, vm0, $0xb8;
	[tilespmem:$0x1E400] =	vst v63  }
0x101: {  	v3 =	vld [tilespmem:$0x180];
	_ =	sdelay $0x4  }
0x102: {  	v52 =	vshll.u32 v3, $0x1  }
0x103: {  	v3 =	vand.u32 $0x7, v3;
	v4 =	vand.u32 $0xFFFFFFF0, v52  }
0x104: {  	v3 =	vor.u32 v3, v4  }
0x105: {  	v4 =	vperm.xlane v3, v0;
	_ =	sdelay $0x1  }
0x106: {  	v3 =	vperm.xlane v3, v2;
	v4 =	vadd.s32 v1, v4;
	_ =	sdelay $0x1  }
0x107: {  	v3 =	vadd.s32 v1, v3;
	_ =	sdelay $0x1  }
0x108: {  	s11 =	sld [smem:$0x7F3]  }
0x109: {  	[tilespmem:s9], [sflag:$0x4] =	stream.indirect_vreg.gather [hbm4b:s3+s2], $0x80, v4, vm0, $0xb8;
	[tilespmem:$0x1E400] =	vst v63  }
0x10a: {  	_ = 	snop  }
0x10b: {  	[tilespmem:s11], [sflag:$0x4] =	stream.indirect_vreg.gather [hbm4b:s3+s2], $0x80, v3, vm0, $0xb8;
	[tilespmem:$0x1E400] =	vst v63  }
0x10c: {  	v3 =	vld [tilespmem:$0x190];
	_ =	sdelay $0x4  }
0x10d: {  	v53 =	vshll.u32 v3, $0x1  }
0x10e: {  	v3 =	vand.u32 $0x7, v3;
	v4 =	vand.u32 $0xFFFFFFF0, v53  }
0x10f: {  	v3 =	vor.u32 v3, v4  }
0x110: {  	v4 =	vperm.xlane v3, v0;
	_ =	sdelay $0x1  }
0x111: {  	v3 =	vperm.xlane v3, v2;
	v4 =	vadd.s32 v1, v4;
	_ =	sdelay $0x1  }
0x112: {  	s0 =	sld [smem:$0x7F4];
	v3 =	vadd.s32 v1, v3;
	_ =	sdelay $0x1  }
0x113: {  	s11 =	sld [smem:$0x7F5]  }
0x114: {  	[tilespmem:s0], [sflag:$0x4] =	stream.indirect_vreg.gather [hbm4b:s3+s2], $0x80, v4, vm0, $0xb8;
	[tilespmem:$0x1E400] =	vst v63  }
0x115: {  	_ = 	snop  }
0x116: {  	[tilespmem:s11], [sflag:$0x4] =	stream.indirect_vreg.gather [hbm4b:s3+s2], $0x80, v3, vm0, $0xb8;
	[tilespmem:$0x1E400] =	vst v63  }
0x117: {  	v3 =	vld [tilespmem:$0x1A0];
	_ =	sdelay $0x4  }
0x118: {  	v54 =	vshll.u32 v3, $0x1  }
0x119: {  	v3 =	vand.u32 $0x7, v3;
	v4 =	vand.u32 $0xFFFFFFF0, v54  }
0x11a: {  	v3 =	vor.u32 v3, v4  }
0x11b: {  	v4 =	vperm.xlane v3, v0;
	_ =	sdelay $0x1  }
0x11c: {  	v3 =	vperm.xlane v3, v2;
	v4 =	vadd.s32 v1, v4;
	_ =	sdelay $0x1  }
0x11d: {  	s0 =	sld [smem:$0x7F6];
	v3 =	vadd.s32 v1, v3;
	_ =	sdelay $0x1  }
0x11e: {  	s11 =	sld [smem:$0x7F7]  }
0x11f: {  	[tilespmem:s0], [sflag:$0x4] =	stream.indirect_vreg.gather [hbm4b:s3+s2], $0x80, v4, vm0, $0xb8;
	[tilespmem:$0x1E400] =	vst v63  }
0x120: {  	_ = 	snop  }
0x121: {  	[tilespmem:s11], [sflag:$0x4] =	stream.indirect_vreg.gather [hbm4b:s3+s2], $0x80, v3, vm0, $0xb8;
	[tilespmem:$0x1E400] =	vst v63  }
0x122: {  	v3 =	vld [tilespmem:$0x1B0];
	_ =	sdelay $0x4  }
0x123: {  	v55 =	vshll.u32 v3, $0x1  }
0x124: {  	v3 =	vand.u32 $0x7, v3;
	v4 =	vand.u32 $0xFFFFFFF0, v55  }
0x125: {  	v3 =	vor.u32 v3, v4  }
0x126: {  	v4 =	vperm.xlane v3, v0;
	_ =	sdelay $0x1  }
0x127: {  	v3 =	vperm.xlane v3, v2;
	v4 =	vadd.s32 v1, v4;
	_ =	sdelay $0x1  }
0x128: {  	s0 =	sld [smem:$0x7F8];
	v3 =	vadd.s32 v1, v3;
	_ =	sdelay $0x1  }
0x129: {  	s11 =	sld [smem:$0x7F9]  }
0x12a: {  	[tilespmem:s0], [sflag:$0x4] =	stream.indirect_vreg.gather [hbm4b:s3+s2], $0x80, v4, vm0, $0xb8;
	[tilespmem:$0x1E400] =	vst v63  }
0x12b: {  	_ = 	snop  }
0x12c: {  	[tilespmem:s11], [sflag:$0x4] =	stream.indirect_vreg.gather [hbm4b:s3+s2], $0x80, v3, vm0, $0xb8;
	[tilespmem:$0x1E400] =	vst v63  }
0x12d: {  	v3 =	vld [tilespmem:$0x1C0];
	_ =	sdelay $0x4  }
0x12e: {  	v56 =	vshll.u32 v3, $0x1  }
0x12f: {  	v3 =	vand.u32 $0x7, v3;
	v4 =	vand.u32 $0xFFFFFFF0, v56  }
0x130: {  	v3 =	vor.u32 v3, v4  }
0x131: {  	v4 =	vperm.xlane v3, v0;
	_ =	sdelay $0x1  }
0x132: {  	v3 =	vperm.xlane v3, v2;
	v4 =	vadd.s32 v1, v4;
	_ =	sdelay $0x1  }
0x133: {  	s0 =	sld [smem:$0x7FA];
	v3 =	vadd.s32 v1, v3;
	_ =	sdelay $0x1  }
0x134: {  	s11 =	sld [smem:$0x7FB]  }
0x135: {  	[tilespmem:s0], [sflag:$0x4] =	stream.indirect_vreg.gather [hbm4b:s3+s2], $0x80, v4, vm0, $0xb8;
	[tilespmem:$0x1E400] =	vst v63  }
0x136: {  	_ = 	snop  }
0x137: {  	[tilespmem:s11], [sflag:$0x4] =	stream.indirect_vreg.gather [hbm4b:s3+s2], $0x80, v3, vm0, $0xb8;
	[tilespmem:$0x1E400] =	vst v63  }
0x138: {  	v3 =	vld [tilespmem:$0x1D0];
	_ =	sdelay $0x4  }
0x139: {  	v57 =	vshll.u32 v3, $0x1  }
0x13a: {  	v3 =	vand.u32 $0x7, v3;
	v4 =	vand.u32 $0xFFFFFFF0, v57  }
0x13b: {  	v3 =	vor.u32 v3, v4  }
0x13c: {  	v4 =	vperm.xlane v3, v0;
	_ =	sdelay $0x1  }
0x13d: {  	v3 =	vperm.xlane v3, v2;
	v4 =	vadd.s32 v1, v4;
	_ =	sdelay $0x1  }
0x13e: {  	s0 =	sld [smem:$0x7FC];
	v3 =	vadd.s32 v1, v3;
	_ =	sdelay $0x1  }
0x13f: {  	s11 =	sld [smem:$0x7FD]  }
0x140: {  	[tilespmem:s0], [sflag:$0x4] =	stream.indirect_vreg.gather [hbm4b:s3+s2], $0x80, v4, vm0, $0xb8;
	[tilespmem:$0x1E400] =	vst v63  }
0x141: {  	_ = 	snop  }
0x142: {  	[tilespmem:s11], [sflag:$0x4] =	stream.indirect_vreg.gather [hbm4b:s3+s2], $0x80, v3, vm0, $0xb8;
	[tilespmem:$0x1E400] =	vst v63  }
0x143: {  	v3 =	vld [tilespmem:$0x200];
	_ =	sdelay $0x4  }
0x144: {  	v58 =	vshll.u32 v3, $0x1  }
0x145: {  	v3 =	vand.u32 $0x7, v3;
	v4 =	vand.u32 $0xFFFFFFF0, v58  }
0x146: {  	v3 =	vor.u32 v3, v4  }
0x147: {  	v4 =	vperm.xlane v3, v0;
	_ =	sdelay $0x1  }
0x148: {  	v3 =	vperm.xlane v3, v2;
	v4 =	vadd.s32 v1, v4;
	_ =	sdelay $0x1  }
0x149: {  	v3 =	vadd.s32 v1, v3;
	_ =	sdelay $0x2  }
0x14a: {  	[tilespmem:s10], [sflag:$0x5] =	stream.indirect_vreg.gather [hbm4b:s3+s2], $0x80, v4, vm0, $0xb8;
	[tilespmem:$0x1E400] =	vst v63  }
0x14b: {  	s11 =	simm.s32 $0x18C00  }
0x14c: {  	[tilespmem:s11], [sflag:$0x5] =	stream.indirect_vreg.gather [hbm4b:s3+s2], $0x80, v3, vm0, $0xb8;
	[tilespmem:$0x1E400] =	vst v63  }
0x14d: {  	v3 =	vld [tilespmem:$0x210];
	_ =	sdelay $0x4  }
0x14e: {  	v59 =	vshll.u32 v3, $0x1  }
0x14f: {  	v3 =	vand.u32 $0x7, v3;
	v4 =	vand.u32 $0xFFFFFFF0, v59  }
0x150: {  	v3 =	vor.u32 v3, v4  }
0x151: {  	v4 =	vperm.xlane v3, v0;
	_ =	sdelay $0x1  }
0x152: {  	v3 =	vperm.xlane v3, v2;
	v4 =	vadd.s32 v1, v4;
	_ =	sdelay $0x1  }
0x153: {  	v3 =	vadd.s32 v1, v3;
	_ =	sdelay $0x2  }
0x154: {  	[tilespmem:s12], [sflag:$0x5] =	stream.indirect_vreg.gather [hbm4b:s3+s2], $0x80, v4, vm0, $0xb8;
	[tilespmem:$0x1E400] =	vst v63  }
0x155: {  	_ = 	snop  }
0x156: {  	[tilespmem:s13], [sflag:$0x5] =	stream.indirect_vreg.gather [hbm4b:s3+s2], $0x80, v3, vm0, $0xb8;
	[tilespmem:$0x1E400] =	vst v63  }
0x157: {  	v3 =	vld [tilespmem:$0x220];
	_ =	sdelay $0x4  }
0x158: {  	v60 =	vshll.u32 v3, $0x1  }
0x159: {  	v3 =	vand.u32 $0x7, v3;
	v4 =	vand.u32 $0xFFFFFFF0, v60  }
0x15a: {  	v3 =	vor.u32 v3, v4  }
0x15b: {  	v4 =	vperm.xlane v3, v0;
	_ =	sdelay $0x1  }
0x15c: {  	v3 =	vperm.xlane v3, v2;
	v4 =	vadd.s32 v1, v4;
	_ =	sdelay $0x1  }
0x15d: {  	v3 =	vadd.s32 v1, v3;
	_ =	sdelay $0x2  }
0x15e: {  	[tilespmem:s14], [sflag:$0x5] =	stream.indirect_vreg.gather [hbm4b:s3+s2], $0x80, v4, vm0, $0xb8;
	[tilespmem:$0x1E400] =	vst v63  }
0x15f: {  	_ = 	snop  }
0x160: {  	[tilespmem:s15], [sflag:$0x5] =	stream.indirect_vreg.gather [hbm4b:s3+s2], $0x80, v3, vm0, $0xb8;
	[tilespmem:$0x1E400] =	vst v63  }
0x161: {  	v3 =	vld [tilespmem:$0x230];
	_ =	sdelay $0x4  }
0x162: {  	v61 =	vshll.u32 v3, $0x1  }
0x163: {  	v3 =	vand.u32 $0x7, v3;
	v4 =	vand.u32 $0xFFFFFFF0, v61  }
0x164: {  	v3 =	vor.u32 v3, v4  }
0x165: {  	v4 =	vperm.xlane v3, v0;
	_ =	sdelay $0x1  }
0x166: {  	v3 =	vperm.xlane v3, v2;
	v4 =	vadd.s32 v1, v4;
	_ =	sdelay $0x1  }
0x167: {  	v3 =	vadd.s32 v1, v3;
	_ =	sdelay $0x2  }
0x168: {  	[tilespmem:s16], [sflag:$0x5] =	stream.indirect_vreg.gather [hbm4b:s3+s2], $0x80, v4, vm0, $0xb8;
	[tilespmem:$0x1E400] =	vst v63  }
0x169: {  	_ = 	snop  }
0x16a: {  	[tilespmem:s17], [sflag:$0x5] =	stream.indirect_vreg.gather [hbm4b:s3+s2], $0x80, v3, vm0, $0xb8;
	[tilespmem:$0x1E400] =	vst v63  }
0x16b: {  	v3 =	vld [tilespmem:$0x240];
	_ =	sdelay $0x4  }
0x16c: {  	v62 =	vshll.u32 v3, $0x1  }
0x16d: {  	v3 =	vand.u32 $0x7, v3;
	v4 =	vand.u32 $0xFFFFFFF0, v62  }
0x16e: {  	v3 =	vor.u32 v3, v4  }
0x16f: {  	v4 =	vperm.xlane v3, v0;
	_ =	sdelay $0x1  }
0x170: {  	v3 =	vperm.xlane v3, v2;
	v4 =	vadd.s32 v1, v4;
	_ =	sdelay $0x1  }
0x171: {  	v3 =	vadd.s32 v1, v3;
	_ =	sdelay $0x2  }
0x172: {  	[tilespmem:s18], [sflag:$0x5] =	stream.indirect_vreg.gather [hbm4b:s3+s2], $0x80, v4, vm0, $0xb8;
	[tilespmem:$0x1E400] =	vst v63  }
0x173: {  	_ = 	snop  }
0x174: {  	[tilespmem:s19], [sflag:$0x5] =	stream.indirect_vreg.gather [hbm4b:s3+s2], $0x80, v3, vm0, $0xb8;
	[tilespmem:$0x1E400] =	vst v63  }
0x175: {  	v3 =	vld [tilespmem:$0x250];
	_ =	sdelay $0x4  }
0x176: {  	v63 =	vshll.u32 v3, $0x1  }
0x177: {  	v3 =	vand.u32 $0x7, v3;
	v4 =	vand.u32 $0xFFFFFFF0, v63  }
0x178: {  	v3 =	vor.u32 v3, v4  }
0x179: {  	v4 =	vperm.xlane v3, v0;
	_ =	sdelay $0x1  }
0x17a: {  	v3 =	vperm.xlane v3, v2;
	v4 =	vadd.s32 v1, v4;
	_ =	sdelay $0x1  }
0x17b: {  	v3 =	vadd.s32 v1, v3;
	_ =	sdelay $0x2  }
0x17c: {  	[tilespmem:s20], [sflag:$0x5] =	stream.indirect_vreg.gather [hbm4b:s3+s2], $0x80, v4, vm0, $0xb8;
	[tilespmem:$0x1E400] =	vst v63  }
0x17d: {  	_ = 	snop  }
0x17e: {  	[tilespmem:s21], [sflag:$0x5] =	stream.indirect_vreg.gather [hbm4b:s3+s2], $0x80, v3, vm0, $0xb8;
	[tilespmem:$0x1E400] =	vst v63  }
0x17f: {  	_ =	swait.ge [sflag:s22], $0x6000  }
0x180: {  	[sflag:s22] =	ssyncset.done $0x0  }
0x181: {  	s11 =	rddreg [dreg:$0x4];
	[sflag:s22] =	ssyncadd.s32 $0xFFFFA000  }
0x182: {  	[hbm4b:s11+s2] =	stream.linear.scatter [tilespmem:s6], [sflag:$0x6], $0x6000, $0x38;
	[tilespmem:$0x1E400] =	vst v63  }
0x183: {  	_ =	swait.ge [sflag:s23], $0x6000  }
0x184: {  	[sflag:s23] =	ssyncset.done $0x0  }
0x185: {  	s11 =	rddreg [dreg:$0x5];
	[sflag:s23] =	ssyncadd.s32 $0xFFFFA000  }
0x186: {  	[hbm4b:s11+s2] =	stream.linear.scatter [tilespmem:s7], [sflag:$0x7], $0x6000, $0x38;
	[tilespmem:$0x1E400] =	vst v63  }
0x187: {  	_ =	swait.ge [sflag:s24], $0x6000  }
0x188: {  	[sflag:s24] =	ssyncset.done $0x0  }
0x189: {  	s11 =	rddreg [dreg:$0x6];
	[sflag:s24] =	ssyncadd.s32 $0xFFFFA000  }
0x18a: {  	[hbm4b:s11+s2] =	stream.linear.scatter [tilespmem:s8], [sflag:$0x8], $0x6000, $0x38;
	[tilespmem:$0x1E400] =	vst v63  }
0x18b: {  	_ =	swait.ge [sflag:s25], $0x6000  }
0x18c: {  	[sflag:s25] =	ssyncset.done $0x0  }
0x18d: {  	s11 =	rddreg [dreg:$0x7];
	[sflag:s25] =	ssyncadd.s32 $0xFFFFA000  }
0x18e: {  	[hbm4b:s11+s2] =	stream.linear.scatter [tilespmem:s9], [sflag:$0x9], $0x6000, $0x38;
	[tilespmem:$0x1E400] =	vst v63  }
0x18f: {  	_ =	swait.ge [sflag:s26], $0x6000  }
0x190: {  	[sflag:s26] =	ssyncset.done $0x0  }
0x191: {  	s11 =	rddreg [dreg:$0x8];
	[sflag:s26] =	ssyncadd.s32 $0xFFFFA000  }
0x192: {  	[hbm4b:s11+s2] =	stream.linear.scatter [tilespmem:s10], [sflag:$0xA], $0x6000, $0x38;
	[tilespmem:$0x1E400] =	vst v63  }
0x193: {  	_ =	swait.ge [sflag:s28], $0x6000  }
0x194: {  	[sflag:s28] =	ssyncset.done $0x0  }
0x195: {  	[sflag:s28] =	ssyncadd.s32 $0xFFFFA000  }
0x196: {  	_ =	swait.ge [sflag:s29], $0x6000  }
0x197: {  	[sflag:s29] =	ssyncset.done $0x0  }
0x198: {  	[sflag:s29] =	ssyncadd.s32 $0xFFFFA000  }
0x199: {  	_ =	swait.ge [sflag:s30], $0x6000  }
0x19a: {  	[sflag:s30] =	ssyncset.done $0x0  }
0x19b: {  	[sflag:s30] =	ssyncadd.s32 $0xFFFFA000  }
0x19c: {  	p0 =	sne.s32 s4, $0x1;
	_ =	swait.ge [sflag:s31], $0x6000  }
.Ltmp0:
0x19d: {  	[sflag:s31] =	ssyncset.done $0x0;
	(pc) =	sbr.rel @p0 .LBB2_1-.Ltmp0, $4  }
0x19e: {  	[sflag:s31] =	ssyncadd.s32 $0xFFFFA000  }
0x19f: {  	_ =	swait.ge [sflag:s1], $0x6000  }
0x1a0: {  	[sflag:s1] =	ssyncset.done $0x0  }
0x1a1: {  	s4 =	sadd.s32 $0xFFFFFFFF, s4;
	[sflag:s1] =	ssyncadd.s32 $0xFFFFA000  }
0x1a2: {  	_ =	sfence.sel $0x180000  }
0x1a3: {  	[bflag:$0x0] =	sbarrier.arrive $0xFFFF  }
0x1a4: {  	_ =	strace $0x9000004A  }
0x1a5: {  	s0 =	stileid.u32;
	[bflag:$0x2] =	sbarrier.arrive $0xFFFF  }
0x1a6: {  	p0 =	sne.s32 s0, $0x0;
	s0 =	rddreg [dreg:$0x2]  }
0x1a7: {  	s0 =	sadd.s32 @!p0 $0x100000, s0  }
0x1a8: {  	[sflag:s0] =	ssyncadd.tile.s32 @!p0 $0x1;
	_ =	shalt  }
.Lfunc_end2:
_tile_overlayer_lowered:
.L_overlay_start_2:
0x1a9: {  	(tag) =	ssettag $0x2  }
0x1aa: {  	s0 =	rddreg [dreg:$0x0];
	s2 =	stileid.u32  }
0x1ab: {  	s1 =	rddreg [dreg:$0x1];
	p0 =	sne.s32 s2, $0x0  }
0x1ac: {  	s3 =	rddreg [dreg:$0x2];
	[bflag:$0x3] =	sbarrier.arrive $0xFFFF;
	s2 =	simm.s32 @!p0 $0x1C0B  }
0x1ad: {  	[timem:s3], [sflag:s2] =	dma.local @!p0 [hbm:s0], s1  }
0x1ae: {  	s0 =	simm.s32 @!p0 $0xB  }
0x1af: {  	_ =	swait.ge @!p0 [sflag:s0], s1  }
0x1b0: {  	s1 =	ssub.s32 @!p0 $0x0, s1;
	[sflag:s0] =	ssyncset.done @!p0 $0x0  }
0x1b1: {  	[sflag:s0] =	ssyncadd.s32 @!p0 s1  }
0x1b2: {  	[bflag:$0x3] =	sbarrier.arrive $0xFFFF  }
0x1b3: {  	_ =	shalt  }

</sc_bundles>
